<compile_context>
chip_gen: v7x
topology: tpu7x:2x2x1
jax: 0.10.2.dev20260603
libtpu: 0.0.44.dev20260713+nightly
codegen_flags: <defaults>
</compile_context>

<pallas_src>
import functools

import jax
import jax.numpy as jnp
from jax import lax
from jax.experimental import pallas as pl
from jax.experimental.pallas import tpu as pltpu
from jax.experimental.pallas import tpu_sc as plsc

_N = 10000
_D = 128
_NP = 10240
_DUMMY = _N
_SHIFT = 14
_MASKV = (1 << _SHIFT) - 1
_DUPBIT = 1 << 30

_NC = 2
_NS = 16
_NW = _NC * _NS
_CK = 64
_RB = 2 * _CK


def _sc_aggregate(keys_per_tile):
    nchunks = keys_per_tile // _CK
    rows_per_tile = _NP // _NS
    mesh = plsc.VectorSubcoreMesh(core_axis_name="c", subcore_axis_name="s")

    @functools.partial(
        pl.kernel,
        out_type=jax.ShapeDtypeStruct((_NC * _NP, _D), jnp.float32),
        mesh=mesh,
        scratch_types=[
            pltpu.VMEM((keys_per_tile,), jnp.int32),
            pltpu.VMEM((_RB,), jnp.int32),
            pltpu.VMEM((_RB,), jnp.int32),
            pltpu.VMEM((_RB, _D), jnp.float32),
            pltpu.VMEM_SHARED((_NP, _D), jnp.float32),
            pltpu.SemaphoreType.DMA,
        ],
    )
    def agg(table_hbm, skey_hbm, out_hbm, kbuf, sidx, didx, rows, acc, sem):
        cid = lax.axis_index("c")
        sid = lax.axis_index("s")
        wid = cid * _NS + sid
        base = wid * keys_per_tile
        pltpu.sync_copy(skey_hbm.at[pl.ds(base, keys_per_tile)], kbuf)

        def _zero(t, _):
            i = t // (_D // 16)
            j = t - i * (_D // 16)
            rows[i, pl.ds(j * 16, 16)] = jnp.zeros((16,), jnp.float32)
            return 0
        lax.fori_loop(0, _RB * (_D // 16), _zero, 0)
        for r in range(rows_per_tile // _RB):
            pltpu.sync_copy(rows, acc.at[pl.ds(sid * rows_per_tile + r * _RB, _RB)])
        plsc.subcore_barrier()

        dummy = jnp.full((16,), _DUMMY, jnp.int32)
        zero = jnp.zeros((16,), jnp.int32)

        def chunk(c, _):
            for v in range(_CK // 16):
                off = c * _CK + v * 16
                k = kbuf[pl.ds(off, 16)]
                dup = lax.bitwise_and(k, _DUPBIT) != zero
                a = lax.bitwise_and(lax.shift_right_logical(k, _SHIFT), _MASKV)
                b = lax.bitwise_and(k, _MASKV)
                src0 = jnp.where(dup, dummy, b)
                src1 = jnp.where(jnp.logical_or(dup, a == b), dummy, a)
                sidx[pl.ds(v * 16, 16)] = src0
                sidx[pl.ds(_CK + v * 16, 16)] = src1
                didx[pl.ds(v * 16, 16)] = a
                didx[pl.ds(_CK + v * 16, 16)] = b
            pltpu.async_copy(table_hbm.at[sidx], rows, sem).wait()
            pltpu.sync_copy(rows, acc.at[didx], add=True)
            return 0
        lax.fori_loop(0, nchunks, chunk, 0)

        plsc.subcore_barrier()
        pltpu.sync_copy(
            acc.at[pl.ds(sid * rows_per_tile, rows_per_tile)],
            out_hbm.at[pl.ds(cid * _NP + sid * rows_per_tile, rows_per_tile)])

    return agg


_BR = 256
_G = _NP // _BR


def _dot(a, w_ref):
    return jnp.dot(a.astype(jnp.bfloat16), w_ref[...],
                   preferred_element_type=jnp.float32)


def _tc_layer0(xp, parts, W1, b1, W2, b2, bns, bnb, WihT, bih, bhh):
    def body(x_ref, p0_ref, p1_ref, w1_ref, b1_ref, w2_ref, b2_ref,
             bns_ref, bnb_ref, wih_ref, bih_ref, bhh_ref, o_ref):
        t = x_ref[...] + p0_ref[...] + p1_ref[...]
        m = jnp.maximum(_dot(t, w1_ref) + b1_ref[...], 0.0)
        y = (_dot(m, w2_ref) + b2_ref[...]) * bns_ref[...] + bnb_ref[...]
        gi = _dot(y, wih_ref) + bih_ref[...]
        r = jax.nn.sigmoid(gi[:, 0:_D] + bhh_ref[:, 0:_D])
        z = jax.nn.sigmoid(gi[:, _D:2 * _D] + bhh_ref[:, _D:2 * _D])
        n = jnp.tanh(gi[:, 2 * _D:3 * _D] + r * bhh_ref[:, 2 * _D:3 * _D])
        h = (1.0 - z) * n
        rowid = pl.program_id(0) * _BR + lax.broadcasted_iota(jnp.int32, (_BR, _D), 0)
        o_ref[...] = jnp.where(rowid < _N, h, 0.0)

    full = lambda shape: pl.BlockSpec(shape, lambda i: (0, 0))
    return pl.pallas_call(
        body,
        grid=(_G,),
        in_specs=[
            pl.BlockSpec((_BR, _D), lambda i: (i, 0)),
            pl.BlockSpec((_BR, _D), lambda i: (i, 0)),
            pl.BlockSpec((_BR, _D), lambda i: (i + _G, 0)),
            full((_D, _D)), full((1, _D)), full((_D, _D)), full((1, _D)),
            full((1, _D)), full((1, _D)),
            full((_D, 3 * _D)), full((1, 3 * _D)), full((1, 3 * _D)),
        ],
        out_specs=pl.BlockSpec((_BR, _D), lambda i: (i, 0)),
        out_shape=jax.ShapeDtypeStruct((_NP, _D), jnp.float32),
    )(xp, parts, parts, W1, b1, W2, b2, bns, bnb, WihT, bih, bhh)


def _tc_layer1(hp, parts, W1, b1, W2, b2, bns, bnb, WihT, bih, WhhT, bhh,
               lW1, lb1, lW2, lb2):
    def body(h_ref, p0_ref, p1_ref, w1_ref, b1_ref, w2_ref, b2_ref,
             bns_ref, bnb_ref, wih_ref, bih_ref, whh_ref, bhh_ref,
             lw1_ref, lb1_ref, lw2_ref, lb2_ref, o_ref):
        h = h_ref[...]
        t = h + p0_ref[...] + p1_ref[...]
        m = jnp.maximum(_dot(t, w1_ref) + b1_ref[...], 0.0)
        y = (_dot(m, w2_ref) + b2_ref[...]) * bns_ref[...] + bnb_ref[...]
        gi = _dot(y, wih_ref) + bih_ref[...]
        gh = _dot(h, whh_ref) + bhh_ref[...]
        r = jax.nn.sigmoid(gi[:, 0:_D] + gh[:, 0:_D])
        z = jax.nn.sigmoid(gi[:, _D:2 * _D] + gh[:, _D:2 * _D])
        n = jnp.tanh(gi[:, 2 * _D:3 * _D] + r * gh[:, 2 * _D:3 * _D])
        h2 = (1.0 - z) * n + z * h
        v = jnp.maximum(_dot(h2, lw1_ref) + lb1_ref[...], 0.0)
        o_ref[...] = _dot(v, lw2_ref) + lb2_ref[...]

    full = lambda shape: pl.BlockSpec(shape, lambda i: (0, 0))
    return pl.pallas_call(
        body,
        grid=(_G,),
        in_specs=[
            pl.BlockSpec((_BR, _D), lambda i: (i, 0)),
            pl.BlockSpec((_BR, _D), lambda i: (i, 0)),
            pl.BlockSpec((_BR, _D), lambda i: (i + _G, 0)),
            full((_D, _D)), full((1, _D)), full((_D, _D)), full((1, _D)),
            full((1, _D)), full((1, _D)),
            full((_D, 3 * _D)), full((1, 3 * _D)),
            full((_D, 3 * _D)), full((1, 3 * _D)),
            full((_D, _D)), full((1, _D)), full((_D, _D)), full((1, _D)),
        ],
        out_specs=pl.BlockSpec((_BR, _D), lambda i: (i, 0)),
        out_shape=jax.ShapeDtypeStruct((_NP, _D), jnp.float32),
    )(hp, parts, parts, W1, b1, W2, b2, bns, bnb, WihT, bih, WhhT, bhh,
      lW1, lb1, lW2, lb2)


def kernel(x, edge_index, mlp0_W1, mlp0_b1, mlp0_W2, mlp0_b2, bn0_gamma, bn0_beta,
           mlp1_W1, mlp1_b1, mlp1_W2, mlp1_b2, bn1_gamma, bn1_beta,
           gru_W_ih, gru_W_hh, gru_b_ih, gru_b_hh,
           last_W1, last_b1, last_W2, last_b2):
    E = edge_index.shape[1]

    s = edge_index[0]
    d = edge_index[1]
    ckey = jnp.bitwise_or(
        jnp.left_shift(jnp.minimum(s, d), _SHIFT), jnp.maximum(s, d))
    skey = jnp.sort(ckey)
    dupf = jnp.concatenate([jnp.zeros((1,), jnp.int32),
                            (skey[1:] == skey[:-1]).astype(jnp.int32)])
    skey = jnp.bitwise_or(skey, dupf * _DUPBIT)

    keys_per_tile = -(-E // _NW)
    keys_per_tile = -(-keys_per_tile // _CK) * _CK
    total = _NW * keys_per_tile
    skeyp = jnp.concatenate([
        skey,
        jnp.broadcast_to(jnp.bitwise_or(skey[-1], _DUPBIT), (total - E,)),
    ])

    xp = jnp.concatenate([x, jnp.zeros((_NP - _N, _D), jnp.float32)], axis=0)
    xr = lax.optimization_barrier(xp.astype(jnp.bfloat16)).astype(jnp.float32)

    bf = lambda w: w.astype(jnp.bfloat16)
    bns0 = (bn0_gamma * (1.0 / jnp.sqrt(1.0 + 1e-5)))[None, :]
    bnb0 = bn0_beta[None, :]
    bns1 = (bn1_gamma * (1.0 / jnp.sqrt(1.0 + 1e-5)))[None, :]
    bnb1 = bn1_beta[None, :]
    WihT = bf(gru_W_ih.T)
    WhhT = bf(gru_W_hh.T)
    bih = gru_b_ih[None, :]
    bhh = gru_b_hh[None, :]
    b1_0 = mlp0_b1[None, :]
    b2_0 = mlp0_b2[None, :]
    b1_1 = mlp1_b1[None, :]
    b2_1 = mlp1_b2[None, :]
    lb1 = last_b1[None, :]
    lb2 = last_b2[None, :]

    agg = _sc_aggregate(keys_per_tile)

    parts0 = agg(xr, skeyp)
    hp = _tc_layer0(xp, parts0, bf(mlp0_W1), b1_0, bf(mlp0_W2), b2_0,
                    bns0, bnb0, WihT, bih, bhh)
    hr = lax.optimization_barrier(hp.astype(jnp.bfloat16)).astype(jnp.float32)
    parts1 = agg(hr, skeyp)
    outp = _tc_layer1(hp, parts1, bf(mlp1_W1), b1_1, bf(mlp1_W2), b2_1,
                      bns1, bnb1, WihT, bih, WhhT, bhh,
                      bf(last_W1), lb1, bf(last_W2), lb2)
    return outp[:_N]

# --- scband reference (transcript-rebuilt; emitter-appended) ---
"""Pipeline reference for scband-custom-layer-model-15625091023069 (READ-ONLY COPY).

The authoritative reference and input builder live on the scoring server;
editing this copy changes nothing except your own understanding.
"""

import jax, jax.numpy as jnp
import numpy as np

N = 10000
E = 160000
D_IN = 128
D_H = 128
D_OUT = 128


def _p(key, shape, scale):
    return jax.random.normal(key, shape, dtype=jnp.float32) * scale


def setup_inputs(seed: int = 0):
    key = jax.random.key(seed)
    ks = jax.random.split(key, 24)
    s_in = float(1.0 / np.sqrt(D_IN))
    s_h = float(1.0 / np.sqrt(D_H))
    inp = {}
    inp["x"] = jax.random.normal(ks[0], (N, D_IN), dtype=jnp.float32)
    inp["edge_index"] = jax.random.randint(ks[1], (2, E), 0, N, dtype=jnp.int32)
    inp["mlp0_W1"] = _p(ks[2], (D_IN, D_H), s_in)
    inp["mlp0_b1"] = _p(ks[3], (D_H,), s_in)
    inp["mlp0_W2"] = _p(ks[4], (D_H, D_H), s_h)
    inp["mlp0_b2"] = _p(ks[5], (D_H,), s_h)
    inp["bn0_gamma"] = jnp.ones((D_H,), jnp.float32)
    inp["bn0_beta"] = jnp.zeros((D_H,), jnp.float32)
    inp["mlp1_W1"] = _p(ks[6], (D_H, D_H), s_h)
    inp["mlp1_b1"] = _p(ks[7], (D_H,), s_h)
    inp["mlp1_W2"] = _p(ks[8], (D_H, D_H), s_h)
    inp["mlp1_b2"] = _p(ks[9], (D_H,), s_h)
    inp["bn1_gamma"] = jnp.ones((D_H,), jnp.float32)
    inp["bn1_beta"] = jnp.zeros((D_H,), jnp.float32)
    inp["gru_W_ih"] = _p(ks[10], (3 * D_H, D_H), s_h)
    inp["gru_W_hh"] = _p(ks[11], (3 * D_H, D_H), s_h)
    inp["gru_b_ih"] = _p(ks[12], (3 * D_H,), s_h)
    inp["gru_b_hh"] = _p(ks[13], (3 * D_H,), s_h)
    inp["last_W1"] = _p(ks[14], (D_H, D_H), s_h)
    inp["last_b1"] = _p(ks[15], (D_H,), s_h)
    inp["last_W2"] = _p(ks[16], (D_H, D_OUT), s_h)
    inp["last_b2"] = _p(ks[17], (D_OUT,), s_h)
    return inp


def _mlp(x, W1, b1, W2, b2):
    h = jnp.maximum(x @ W1 + b1, 0.0)
    return h @ W2 + b2


def _bn_eval(x, gamma, beta, eps=1e-5):
    # BatchNorm1d in eval mode with default running stats (mean=0, var=1)
    return (x - 0.0) / jnp.sqrt(1.0 + eps) * gamma + beta


def _gru(x, h, W_ih, W_hh, b_ih, b_hh):
    gi = x @ W_ih.T + b_ih
    gh = h @ W_hh.T + b_hh
    i_r, i_z, i_n = jnp.split(gi, 3, axis=1)
    h_r, h_z, h_n = jnp.split(gh, 3, axis=1)
    r = jax.nn.sigmoid(i_r + h_r)
    z = jax.nn.sigmoid(i_z + h_z)
    n = jnp.tanh(i_n + r * h_n)
    return (1.0 - z) * n + z * h


def _forward(x, edge_index, mlp0_W1, mlp0_b1, mlp0_W2, mlp0_b2, bn0_gamma, bn0_beta,
             mlp1_W1, mlp1_b1, mlp1_W2, mlp1_b2, bn1_gamma, bn1_beta,
             gru_W_ih, gru_W_hh, gru_b_ih, gru_b_hh,
             last_W1, last_b1, last_W2, last_b2):
    n = x.shape[0]
    src = edge_index[0]
    dst = edge_index[1]
    # get_adjacency: dense binary symmetric adjacency (scatter-overwrite, dedups duplicate edges)
    adj = jnp.zeros((n, n), dtype=jnp.float32)
    adj = adj.at[src, dst].set(1.0)
    adj = adj.at[dst, src].set(1.0)
    h = jnp.zeros((n, D_H), dtype=x.dtype)
    # layer 0: sum aggregation over neighbors; nodes with no neighbors stay zero (adj row is zero)
    agg = adj @ x
    xc = _mlp(x + agg, mlp0_W1, mlp0_b1, mlp0_W2, mlp0_b2)
    xc = _bn_eval(xc, bn0_gamma, bn0_beta)
    # dropout is identity in eval mode
    h = _gru(xc, h, gru_W_ih, gru_W_hh, gru_b_ih, gru_b_hh)
    x = h
    # layer 1
    agg = adj @ x
    xc = _mlp(x + agg, mlp1_W1, mlp1_b1, mlp1_W2, mlp1_b2)
    xc = _bn_eval(xc, bn1_gamma, bn1_beta)
    h = _gru(xc, h, gru_W_ih, gru_W_hh, gru_b_ih, gru_b_hh)
    x = h
    # output_type == 'node'
    return _mlp(x, last_W1, last_b1, last_W2, last_b2)


def reference(x, edge_index, mlp0_W1, mlp0_b1, mlp0_W2, mlp0_b2, bn0_gamma, bn0_beta,
              mlp1_W1, mlp1_b1, mlp1_W2, mlp1_b2, bn1_gamma, bn1_beta,
              gru_W_ih, gru_W_hh, gru_b_ih, gru_b_hh,
              last_W1, last_b1, last_W2, last_b2):
    return _forward(x, edge_index, mlp0_W1, mlp0_b1, mlp0_W2, mlp0_b2, bn0_gamma, bn0_beta,
                    mlp1_W1, mlp1_b1, mlp1_W2, mlp1_b2, bn1_gamma, bn1_beta,
                    gru_W_ih, gru_W_hh, gru_b_ih, gru_b_hh,
                    last_W1, last_b1, last_W2, last_b2)

if __name__ == "__main__":
    import jax
    _d = setup_inputs()
    print(jax.jit(kernel)(*tuple(_d.values())))

</pallas_src>

<mosaic_0001>
#map = affine_map<(d0, d1) -> (0, 0)>
#map1 = affine_map<(d0, d1) -> (0)>
module attributes {stable_mosaic.version = 14 : i64} {
  func.func @agg(%arg0: i32, %arg1: i32, %arg2: memref<10240x128xf32, #tpu.memory_space<hbm>>, %arg3: memref<161792xi32, #tpu.memory_space<hbm>>, %arg4: memref<20480x128xf32, #tpu.memory_space<hbm>>, %arg5: memref<5056xi32, #tpu.memory_space<vmem>>, %arg6: memref<128xi32, #tpu.memory_space<vmem>>, %arg7: memref<128xi32, #tpu.memory_space<vmem>>, %arg8: memref<128x128xf32, #tpu.memory_space<vmem>>, %arg9: memref<10240x128xf32, #tpu.memory_space<vmem_shared>>, %arg10: memref<!tpu.dma_semaphore, #tpu.memory_space<semaphore_mem>>) attributes {dimension_semantics = [#tpu.dimension_semantics<core_parallel>, #tpu.dimension_semantics<subcore_parallel>], iteration_bounds = array<i64: 2, 16>, scalar_prefetch = 0 : i64, scratch_operands = 6 : i64, tpu.core_type = #tpu.core_type<sc_vector_subcore>, window_params = [{transform_indices = #map}, {transform_indices = #map1}, {transform_indices = #map}]} {
    %mul3A = arith.constant 16 : i32
    %mul3A_0 = arith.muli %arg0, %mul3A : i32
    %add3A = arith.addi %mul3A_0, %arg1 : i32
    %mul3A_1 = arith.constant 5056 : i32
    %mul3A_2 = arith.muli %add3A, %mul3A_1 : i32
    "tpu.region"() ({
      %run_scoped3A = tpu.sem_alloc : memref<!tpu.dma_semaphore, #tpu.memory_space<semaphore_mem>>
      %dma_start3A = tpu.memref_slice %arg3[%mul3A_2] : memref<161792xi32, #tpu.memory_space<hbm>> -> memref<5056xi32, #tpu.memory_space<hbm>>
      %dma_start3A_47 = tpu.memref_slice %arg3[%mul3A_2] : memref<161792xi32, #tpu.memory_space<hbm>> -> memref<5056xi32, #tpu.memory_space<hbm>>
      tpu.enqueue_dma source(%dma_start3A_47 : memref<5056xi32, #tpu.memory_space<hbm>>) target(%arg5 : memref<5056xi32, #tpu.memory_space<vmem>>) target_semaphore(%run_scoped3A : memref<!tpu.dma_semaphore, #tpu.memory_space<semaphore_mem>>)
      %dma_wait3A = tpu.memref_slice %arg3[%mul3A_2] : memref<161792xi32, #tpu.memory_space<hbm>> -> memref<5056xi32, #tpu.memory_space<hbm>>
      %dma_wait3A_48 = tpu.memref_slice %arg3[%mul3A_2] : memref<161792xi32, #tpu.memory_space<hbm>> -> memref<5056xi32, #tpu.memory_space<hbm>>
      tpu.wait_dma2 semaphore(%run_scoped3A : memref<!tpu.dma_semaphore, #tpu.memory_space<semaphore_mem>>) src(%dma_wait3A_48 : memref<5056xi32, #tpu.memory_space<hbm>>) dst(%arg5 : memref<5056xi32, #tpu.memory_space<vmem>>)
      tpu.yield
    }) : () -> ()
    %scan3A = arith.constant 0 : i32
    %scan3A_3 = arith.constant 0 : i32
    %scan3A_4 = arith.constant 1024 : i32
    %scan3A_5 = arith.addi %scan3A_3, %scan3A_4 : i32
    %scan3A_6 = arith.constant 1 : i32
    %scan3A_7 = scf.for %scan3A_47 = %scan3A_3 to %scan3A_5 step %scan3A_6 iter_args(%scan3A_48 = %scan3A) -> (i32)  : i32 {
      %jit3A = arith.constant 8 : i32
      %div3A = arith.divsi %scan3A_47, %jit3A : i32
      %sign3A = arith.constant 0 : i32
      %sign3A_49 = arith.cmpi sgt, %scan3A_47, %sign3A : i32
      %sign3A_50 = arith.extui %sign3A_49 : i1 to i32
      %sign3A_51 = arith.constant 0 : i32
      %sign3A_52 = arith.cmpi slt, %scan3A_47, %sign3A_51 : i32
      %sign3A_53 = arith.extui %sign3A_52 : i1 to i32
      %sign3A_54 = arith.subi %sign3A_50, %sign3A_53 : i32
      %sign3A_55 = arith.constant 0 : i32
      %sign3A_56 = arith.cmpi sgt, %jit3A, %sign3A_55 : i32
      %sign3A_57 = arith.extui %sign3A_56 : i1 to i32
      %sign3A_58 = arith.constant 0 : i32
      %sign3A_59 = arith.cmpi slt, %jit3A, %sign3A_58 : i32
      %sign3A_60 = arith.extui %sign3A_59 : i1 to i32
      %sign3A_61 = arith.subi %sign3A_57, %sign3A_60 : i32
      %ne3A = arith.cmpi ne, %sign3A_54, %sign3A_61 : i32
      %rem3A = arith.remsi %scan3A_47, %jit3A : i32
      %ne3A_62 = arith.constant 0 : i32
      %ne3A_63 = arith.cmpi ne, %rem3A, %ne3A_62 : i32
      %and3A = arith.andi %ne3A, %ne3A_63 : i1
      %sub3A = arith.constant 1 : i32
      %sub3A_64 = arith.subi %div3A, %sub3A : i32
      %select_n3A = arith.select %and3A, %sub3A_64, %div3A : i32
      %mul3A_65 = arith.constant 8 : i32
      %mul3A_66 = arith.muli %select_n3A, %mul3A_65 : i32
      %sub3A_67 = arith.subi %scan3A_47, %mul3A_66 : i32
      %broadcast_in_dim3A_68 = arith.constant 0.000000e+00 : f32
      %broadcast_in_dim3A_69 = vector.broadcast %broadcast_in_dim3A_68 : f32 to vector<16xf32>
      %mul3A_70 = arith.constant 16 : i32
      %mul3A_71 = arith.muli %sub3A_67, %mul3A_70 : i32
      %swap3A = arith.index_cast %select_n3A : i32 to index
      %swap3A_72 = arith.index_cast %mul3A_71 : i32 to index
      %swap3A_73 = tpu.vector_load %arg8[%swap3A, %swap3A_72] {strides = array<i32>} : memref<128x128xf32, #tpu.memory_space<vmem>>, vector<1x16xf32>,
      %swap3A_74 = vector.shape_cast %swap3A_73 : vector<1x16xf32> to vector<16xf32>
      %swap3A_75 = vector.shape_cast %broadcast_in_dim3A_69 : vector<16xf32> to vector<1x16xf32>
      tpu.vector_store %arg8[%swap3A, %swap3A_72], %swap3A_75 {strides = array<i32>} : memref<128x128xf32, #tpu.memory_space<vmem>>, vector<1x16xf32>,
      %scan3A_76 = arith.constant 0 : i32
      scf.yield %scan3A_76 : i32
    }
    %scan3A_8 = arith.constant 1024 : i32
    %mul3A_9 = arith.constant 640 : i32
    %mul3A_10 = arith.muli %arg1, %mul3A_9 : i32
    %add3A_11 = arith.constant 0 : i32
    %add3A_12 = arith.addi %mul3A_10, %add3A_11 : i32
    "tpu.region"() ({
      %run_scoped3A = tpu.sem_alloc : memref<!tpu.dma_semaphore, #tpu.memory_space<semaphore_mem>>
      %dma_start3A = arith.constant 0 : i32
      %dma_start3A_47 = tpu.memref_slice %arg9[%add3A_12, %dma_start3A] : memref<10240x128xf32, #tpu.memory_space<vmem_shared>> -> memref<128x128xf32, #tpu.memory_space<vmem_shared>>
      %dma_start3A_48 = arith.constant 0 : i32
      %dma_start3A_49 = tpu.memref_slice %arg9[%add3A_12, %dma_start3A_48] : memref<10240x128xf32, #tpu.memory_space<vmem_shared>> -> memref<128x128xf32, #tpu.memory_space<vmem_shared>>
      tpu.enqueue_dma source(%arg8 : memref<128x128xf32, #tpu.memory_space<vmem>>) target(%dma_start3A_49 : memref<128x128xf32, #tpu.memory_space<vmem_shared>>) target_semaphore(%run_scoped3A : memref<!tpu.dma_semaphore, #tpu.memory_space<semaphore_mem>>)
      %dma_wait3A = arith.constant 0 : i32
      %dma_wait3A_50 = tpu.memref_slice %arg9[%add3A_12, %dma_wait3A] : memref<10240x128xf32, #tpu.memory_space<vmem_shared>> -> memref<128x128xf32, #tpu.memory_space<vmem_shared>>
      %dma_wait3A_51 = arith.constant 0 : i32
      %dma_wait3A_52 = tpu.memref_slice %arg9[%add3A_12, %dma_wait3A_51] : memref<10240x128xf32, #tpu.memory_space<vmem_shared>> -> memref<128x128xf32, #tpu.memory_space<vmem_shared>>
      tpu.wait_dma2 semaphore(%run_scoped3A : memref<!tpu.dma_semaphore, #tpu.memory_space<semaphore_mem>>) src(%arg8 : memref<128x128xf32, #tpu.memory_space<vmem>>) dst(%dma_wait3A_52 : memref<128x128xf32, #tpu.memory_space<vmem_shared>>)
      tpu.yield
    }) : () -> ()
    %mul3A_13 = arith.constant 640 : i32
    %mul3A_14 = arith.muli %arg1, %mul3A_13 : i32
    %add3A_15 = arith.constant 128 : i32
    %add3A_16 = arith.addi %mul3A_14, %add3A_15 : i32
    "tpu.region"() ({
      %run_scoped3A = tpu.sem_alloc : memref<!tpu.dma_semaphore, #tpu.memory_space<semaphore_mem>>
      %dma_start3A = arith.constant 0 : i32
      %dma_start3A_47 = tpu.memref_slice %arg9[%add3A_16, %dma_start3A] : memref<10240x128xf32, #tpu.memory_space<vmem_shared>> -> memref<128x128xf32, #tpu.memory_space<vmem_shared>>
      %dma_start3A_48 = arith.constant 0 : i32
      %dma_start3A_49 = tpu.memref_slice %arg9[%add3A_16, %dma_start3A_48] : memref<10240x128xf32, #tpu.memory_space<vmem_shared>> -> memref<128x128xf32, #tpu.memory_space<vmem_shared>>
      tpu.enqueue_dma source(%arg8 : memref<128x128xf32, #tpu.memory_space<vmem>>) target(%dma_start3A_49 : memref<128x128xf32, #tpu.memory_space<vmem_shared>>) target_semaphore(%run_scoped3A : memref<!tpu.dma_semaphore, #tpu.memory_space<semaphore_mem>>)
      %dma_wait3A = arith.constant 0 : i32
      %dma_wait3A_50 = tpu.memref_slice %arg9[%add3A_16, %dma_wait3A] : memref<10240x128xf32, #tpu.memory_space<vmem_shared>> -> memref<128x128xf32, #tpu.memory_space<vmem_shared>>
      %dma_wait3A_51 = arith.constant 0 : i32
      %dma_wait3A_52 = tpu.memref_slice %arg9[%add3A_16, %dma_wait3A_51] : memref<10240x128xf32, #tpu.memory_space<vmem_shared>> -> memref<128x128xf32, #tpu.memory_space<vmem_shared>>
      tpu.wait_dma2 semaphore(%run_scoped3A : memref<!tpu.dma_semaphore, #tpu.memory_space<semaphore_mem>>) src(%arg8 : memref<128x128xf32, #tpu.memory_space<vmem>>) dst(%dma_wait3A_52 : memref<128x128xf32, #tpu.memory_space<vmem_shared>>)
      tpu.yield
    }) : () -> ()
    %mul3A_17 = arith.constant 640 : i32
    %mul3A_18 = arith.muli %arg1, %mul3A_17 : i32
    %add3A_19 = arith.constant 256 : i32
    %add3A_20 = arith.addi %mul3A_18, %add3A_19 : i32
    "tpu.region"() ({
      %run_scoped3A = tpu.sem_alloc : memref<!tpu.dma_semaphore, #tpu.memory_space<semaphore_mem>>
      %dma_start3A = arith.constant 0 : i32
      %dma_start3A_47 = tpu.memref_slice %arg9[%add3A_20, %dma_start3A] : memref<10240x128xf32, #tpu.memory_space<vmem_shared>> -> memref<128x128xf32, #tpu.memory_space<vmem_shared>>
      %dma_start3A_48 = arith.constant 0 : i32
      %dma_start3A_49 = tpu.memref_slice %arg9[%add3A_20, %dma_start3A_48] : memref<10240x128xf32, #tpu.memory_space<vmem_shared>> -> memref<128x128xf32, #tpu.memory_space<vmem_shared>>
      tpu.enqueue_dma source(%arg8 : memref<128x128xf32, #tpu.memory_space<vmem>>) target(%dma_start3A_49 : memref<128x128xf32, #tpu.memory_space<vmem_shared>>) target_semaphore(%run_scoped3A : memref<!tpu.dma_semaphore, #tpu.memory_space<semaphore_mem>>)
      %dma_wait3A = arith.constant 0 : i32
      %dma_wait3A_50 = tpu.memref_slice %arg9[%add3A_20, %dma_wait3A] : memref<10240x128xf32, #tpu.memory_space<vmem_shared>> -> memref<128x128xf32, #tpu.memory_space<vmem_shared>>
      %dma_wait3A_51 = arith.constant 0 : i32
      %dma_wait3A_52 = tpu.memref_slice %arg9[%add3A_20, %dma_wait3A_51] : memref<10240x128xf32, #tpu.memory_space<vmem_shared>> -> memref<128x128xf32, #tpu.memory_space<vmem_shared>>
      tpu.wait_dma2 semaphore(%run_scoped3A : memref<!tpu.dma_semaphore, #tpu.memory_space<semaphore_mem>>) src(%arg8 : memref<128x128xf32, #tpu.memory_space<vmem>>) dst(%dma_wait3A_52 : memref<128x128xf32, #tpu.memory_space<vmem_shared>>)
      tpu.yield
    }) : () -> ()
    %mul3A_21 = arith.constant 640 : i32
    %mul3A_22 = arith.muli %arg1, %mul3A_21 : i32
    %add3A_23 = arith.constant 384 : i32
    %add3A_24 = arith.addi %mul3A_22, %add3A_23 : i32
    "tpu.region"() ({
      %run_scoped3A = tpu.sem_alloc : memref<!tpu.dma_semaphore, #tpu.memory_space<semaphore_mem>>
      %dma_start3A = arith.constant 0 : i32
      %dma_start3A_47 = tpu.memref_slice %arg9[%add3A_24, %dma_start3A] : memref<10240x128xf32, #tpu.memory_space<vmem_shared>> -> memref<128x128xf32, #tpu.memory_space<vmem_shared>>
      %dma_start3A_48 = arith.constant 0 : i32
      %dma_start3A_49 = tpu.memref_slice %arg9[%add3A_24, %dma_start3A_48] : memref<10240x128xf32, #tpu.memory_space<vmem_shared>> -> memref<128x128xf32, #tpu.memory_space<vmem_shared>>
      tpu.enqueue_dma source(%arg8 : memref<128x128xf32, #tpu.memory_space<vmem>>) target(%dma_start3A_49 : memref<128x128xf32, #tpu.memory_space<vmem_shared>>) target_semaphore(%run_scoped3A : memref<!tpu.dma_semaphore, #tpu.memory_space<semaphore_mem>>)
      %dma_wait3A = arith.constant 0 : i32
      %dma_wait3A_50 = tpu.memref_slice %arg9[%add3A_24, %dma_wait3A] : memref<10240x128xf32, #tpu.memory_space<vmem_shared>> -> memref<128x128xf32, #tpu.memory_space<vmem_shared>>
      %dma_wait3A_51 = arith.constant 0 : i32
      %dma_wait3A_52 = tpu.memref_slice %arg9[%add3A_24, %dma_wait3A_51] : memref<10240x128xf32, #tpu.memory_space<vmem_shared>> -> memref<128x128xf32, #tpu.memory_space<vmem_shared>>
      tpu.wait_dma2 semaphore(%run_scoped3A : memref<!tpu.dma_semaphore, #tpu.memory_space<semaphore_mem>>) src(%arg8 : memref<128x128xf32, #tpu.memory_space<vmem>>) dst(%dma_wait3A_52 : memref<128x128xf32, #tpu.memory_space<vmem_shared>>)
      tpu.yield
    }) : () -> ()
    %mul3A_25 = arith.constant 640 : i32
    %mul3A_26 = arith.muli %arg1, %mul3A_25 : i32
    %add3A_27 = arith.constant 512 : i32
    %add3A_28 = arith.addi %mul3A_26, %add3A_27 : i32
    "tpu.region"() ({
      %run_scoped3A = tpu.sem_alloc : memref<!tpu.dma_semaphore, #tpu.memory_space<semaphore_mem>>
      %dma_start3A = arith.constant 0 : i32
      %dma_start3A_47 = tpu.memref_slice %arg9[%add3A_28, %dma_start3A] : memref<10240x128xf32, #tpu.memory_space<vmem_shared>> -> memref<128x128xf32, #tpu.memory_space<vmem_shared>>
      %dma_start3A_48 = arith.constant 0 : i32
      %dma_start3A_49 = tpu.memref_slice %arg9[%add3A_28, %dma_start3A_48] : memref<10240x128xf32, #tpu.memory_space<vmem_shared>> -> memref<128x128xf32, #tpu.memory_space<vmem_shared>>
      tpu.enqueue_dma source(%arg8 : memref<128x128xf32, #tpu.memory_space<vmem>>) target(%dma_start3A_49 : memref<128x128xf32, #tpu.memory_space<vmem_shared>>) target_semaphore(%run_scoped3A : memref<!tpu.dma_semaphore, #tpu.memory_space<semaphore_mem>>)
      %dma_wait3A = arith.constant 0 : i32
      %dma_wait3A_50 = tpu.memref_slice %arg9[%add3A_28, %dma_wait3A] : memref<10240x128xf32, #tpu.memory_space<vmem_shared>> -> memref<128x128xf32, #tpu.memory_space<vmem_shared>>
      %dma_wait3A_51 = arith.constant 0 : i32
      %dma_wait3A_52 = tpu.memref_slice %arg9[%add3A_28, %dma_wait3A_51] : memref<10240x128xf32, #tpu.memory_space<vmem_shared>> -> memref<128x128xf32, #tpu.memory_space<vmem_shared>>
      tpu.wait_dma2 semaphore(%run_scoped3A : memref<!tpu.dma_semaphore, #tpu.memory_space<semaphore_mem>>) src(%arg8 : memref<128x128xf32, #tpu.memory_space<vmem>>) dst(%dma_wait3A_52 : memref<128x128xf32, #tpu.memory_space<vmem_shared>>)
      tpu.yield
    }) : () -> ()
    %barrier3A = arith.constant 0 : index
    tpu.barrier barrier_id(%barrier3A)
    %broadcast_in_dim3A = arith.constant 10000 : i32
    %broadcast_in_dim3A_29 = vector.broadcast %broadcast_in_dim3A : i32 to vector<16xi32>
    %broadcast_in_dim3A_30 = arith.constant 0 : i32
    %broadcast_in_dim3A_31 = vector.broadcast %broadcast_in_dim3A_30 : i32 to vector<16xi32>
    %scan3A_32 = arith.constant 0 : i32
    %scan3A_33 = arith.constant 0 : i32
    %scan3A_34 = arith.constant 79 : i32
    %scan3A_35 = arith.addi %scan3A_33, %scan3A_34 : i32
    %scan3A_36 = arith.constant 1 : i32
    %scan3A_37 = scf.for %scan3A_47 = %scan3A_33 to %scan3A_35 step %scan3A_36 iter_args(%scan3A_48 = %scan3A_32) -> (i32)  : i32 {
      %mul3A_49 = arith.constant 64 : i32
      %mul3A_50 = arith.muli %scan3A_47, %mul3A_49 : i32
      %add3A_51 = arith.constant 0 : i32
      %add3A_52 = arith.addi %mul3A_50, %add3A_51 : i32
      %get3A = arith.index_cast %add3A_52 : i32 to index
      %get3A_53 = tpu.vector_load %arg5[%get3A] {strides = array<i32>} : memref<5056xi32, #tpu.memory_space<vmem>>, vector<16xi32>,
      %get3A_54 = vector.shape_cast %get3A_53 : vector<16xi32> to vector<16xi32>
      %and3A = arith.constant 1073741824 : i32
      %and3A_55 = vector.broadcast %and3A : i32 to vector<16xi32>
      %and3A_56 = arith.andi %get3A_54, %and3A_55 : vector<16xi32>
      %ne3A = arith.cmpi ne, %and3A_56, %broadcast_in_dim3A_31 : vector<16xi32>
      %shift_right_logical3A = arith.constant 14 : i32
      %shift_right_logical3A_57 = vector.broadcast %shift_right_logical3A : i32 to vector<16xi32>
      %shift_right_logical3A_58 = arith.shrui %get3A_54, %shift_right_logical3A_57 : vector<16xi32>
      %and3A_59 = arith.constant 16383 : i32
      %and3A_60 = vector.broadcast %and3A_59 : i32 to vector<16xi32>
      %and3A_61 = arith.andi %shift_right_logical3A_58, %and3A_60 : vector<16xi32>
      %and3A_62 = arith.constant 16383 : i32
      %and3A_63 = vector.broadcast %and3A_62 : i32 to vector<16xi32>
      %and3A_64 = arith.andi %get3A_54, %and3A_63 : vector<16xi32>
      %select_n3A = arith.select %ne3A, %broadcast_in_dim3A_29, %and3A_64 : vector<16xi1>, vector<16xi32>
      %eq3A = arith.cmpi eq, %and3A_61, %and3A_64 : vector<16xi32>
      %or3A = arith.ori %ne3A, %eq3A : vector<16xi1>
      %select_n3A_65 = arith.select %or3A, %broadcast_in_dim3A_29, %and3A_61 : vector<16xi1>, vector<16xi32>
      %swap3A = arith.constant 0 : index
      %swap3A_66 = tpu.vector_load %arg6[%swap3A] {strides = array<i32>} : memref<128xi32, #tpu.memory_space<vmem>>, vector<16xi32>,
      %swap3A_67 = vector.shape_cast %swap3A_66 : vector<16xi32> to vector<16xi32>
      %swap3A_68 = vector.shape_cast %select_n3A : vector<16xi32> to vector<16xi32>
      tpu.vector_store %arg6[%swap3A], %swap3A_68 {strides = array<i32>} : memref<128xi32, #tpu.memory_space<vmem>>, vector<16xi32>,
      %swap3A_69 = arith.constant 64 : index
      %swap3A_70 = tpu.vector_load %arg6[%swap3A_69] {strides = array<i32>} : memref<128xi32, #tpu.memory_space<vmem>>, vector<16xi32>,
      %swap3A_71 = vector.shape_cast %swap3A_70 : vector<16xi32> to vector<16xi32>
      %swap3A_72 = vector.shape_cast %select_n3A_65 : vector<16xi32> to vector<16xi32>
      tpu.vector_store %arg6[%swap3A_69], %swap3A_72 {strides = array<i32>} : memref<128xi32, #tpu.memory_space<vmem>>, vector<16xi32>,
      %swap3A_73 = arith.constant 0 : index
      %swap3A_74 = tpu.vector_load %arg7[%swap3A_73] {strides = array<i32>} : memref<128xi32, #tpu.memory_space<vmem>>, vector<16xi32>,
      %swap3A_75 = vector.shape_cast %swap3A_74 : vector<16xi32> to vector<16xi32>
      %swap3A_76 = vector.shape_cast %and3A_61 : vector<16xi32> to vector<16xi32>
      tpu.vector_store %arg7[%swap3A_73], %swap3A_76 {strides = array<i32>} : memref<128xi32, #tpu.memory_space<vmem>>, vector<16xi32>,
      %swap3A_77 = arith.constant 64 : index
      %swap3A_78 = tpu.vector_load %arg7[%swap3A_77] {strides = array<i32>} : memref<128xi32, #tpu.memory_space<vmem>>, vector<16xi32>,
      %swap3A_79 = vector.shape_cast %swap3A_78 : vector<16xi32> to vector<16xi32>
      %swap3A_80 = vector.shape_cast %and3A_64 : vector<16xi32> to vector<16xi32>
      tpu.vector_store %arg7[%swap3A_77], %swap3A_80 {strides = array<i32>} : memref<128xi32, #tpu.memory_space<vmem>>, vector<16xi32>,
      %mul3A_81 = arith.constant 64 : i32
      %mul3A_82 = arith.muli %scan3A_47, %mul3A_81 : i32
      %add3A_83 = arith.constant 16 : i32
      %add3A_84 = arith.addi %mul3A_82, %add3A_83 : i32
      %get3A_85 = arith.index_cast %add3A_84 : i32 to index
      %get3A_86 = tpu.vector_load %arg5[%get3A_85] {strides = array<i32>} : memref<5056xi32, #tpu.memory_space<vmem>>, vector<16xi32>,
      %get3A_87 = vector.shape_cast %get3A_86 : vector<16xi32> to vector<16xi32>
      %and3A_88 = arith.constant 1073741824 : i32
      %and3A_89 = vector.broadcast %and3A_88 : i32 to vector<16xi32>
      %and3A_90 = arith.andi %get3A_87, %and3A_89 : vector<16xi32>
      %ne3A_91 = arith.cmpi ne, %and3A_90, %broadcast_in_dim3A_31 : vector<16xi32>
      %shift_right_logical3A_92 = arith.constant 14 : i32
      %shift_right_logical3A_93 = vector.broadcast %shift_right_logical3A_92 : i32 to vector<16xi32>
      %shift_right_logical3A_94 = arith.shrui %get3A_87, %shift_right_logical3A_93 : vector<16xi32>
      %and3A_95 = arith.constant 16383 : i32
      %and3A_96 = vector.broadcast %and3A_95 : i32 to vector<16xi32>
      %and3A_97 = arith.andi %shift_right_logical3A_94, %and3A_96 : vector<16xi32>
      %and3A_98 = arith.constant 16383 : i32
      %and3A_99 = vector.broadcast %and3A_98 : i32 to vector<16xi32>
      %and3A_100 = arith.andi %get3A_87, %and3A_99 : vector<16xi32>
      %select_n3A_101 = arith.select %ne3A_91, %broadcast_in_dim3A_29, %and3A_100 : vector<16xi1>, vector<16xi32>
      %eq3A_102 = arith.cmpi eq, %and3A_97, %and3A_100 : vector<16xi32>
      %or3A_103 = arith.ori %ne3A_91, %eq3A_102 : vector<16xi1>
      %select_n3A_104 = arith.select %or3A_103, %broadcast_in_dim3A_29, %and3A_97 : vector<16xi1>, vector<16xi32>
      %swap3A_105 = arith.constant 16 : index
      %swap3A_106 = tpu.vector_load %arg6[%swap3A_105] {strides = array<i32>} : memref<128xi32, #tpu.memory_space<vmem>>, vector<16xi32>,
      %swap3A_107 = vector.shape_cast %swap3A_106 : vector<16xi32> to vector<16xi32>
      %swap3A_108 = vector.shape_cast %select_n3A_101 : vector<16xi32> to vector<16xi32>
      tpu.vector_store %arg6[%swap3A_105], %swap3A_108 {strides = array<i32>} : memref<128xi32, #tpu.memory_space<vmem>>, vector<16xi32>,
      %swap3A_109 = arith.constant 80 : index
      %swap3A_110 = tpu.vector_load %arg6[%swap3A_109] {strides = array<i32>} : memref<128xi32, #tpu.memory_space<vmem>>, vector<16xi32>,
      %swap3A_111 = vector.shape_cast %swap3A_110 : vector<16xi32> to vector<16xi32>
      %swap3A_112 = vector.shape_cast %select_n3A_104 : vector<16xi32> to vector<16xi32>
      tpu.vector_store %arg6[%swap3A_109], %swap3A_112 {strides = array<i32>} : memref<128xi32, #tpu.memory_space<vmem>>, vector<16xi32>,
      %swap3A_113 = arith.constant 16 : index
      %swap3A_114 = tpu.vector_load %arg7[%swap3A_113] {strides = array<i32>} : memref<128xi32, #tpu.memory_space<vmem>>, vector<16xi32>,
      %swap3A_115 = vector.shape_cast %swap3A_114 : vector<16xi32> to vector<16xi32>
      %swap3A_116 = vector.shape_cast %and3A_97 : vector<16xi32> to vector<16xi32>
      tpu.vector_store %arg7[%swap3A_113], %swap3A_116 {strides = array<i32>} : memref<128xi32, #tpu.memory_space<vmem>>, vector<16xi32>,
      %swap3A_117 = arith.constant 80 : index
      %swap3A_118 = tpu.vector_load %arg7[%swap3A_117] {strides = array<i32>} : memref<128xi32, #tpu.memory_space<vmem>>, vector<16xi32>,
      %swap3A_119 = vector.shape_cast %swap3A_118 : vector<16xi32> to vector<16xi32>
      %swap3A_120 = vector.shape_cast %and3A_100 : vector<16xi32> to vector<16xi32>
      tpu.vector_store %arg7[%swap3A_117], %swap3A_120 {strides = array<i32>} : memref<128xi32, #tpu.memory_space<vmem>>, vector<16xi32>,
      %mul3A_121 = arith.constant 64 : i32
      %mul3A_122 = arith.muli %scan3A_47, %mul3A_121 : i32
      %add3A_123 = arith.constant 32 : i32
      %add3A_124 = arith.addi %mul3A_122, %add3A_123 : i32
      %get3A_125 = arith.index_cast %add3A_124 : i32 to index
      %get3A_126 = tpu.vector_load %arg5[%get3A_125] {strides = array<i32>} : memref<5056xi32, #tpu.memory_space<vmem>>, vector<16xi32>,
      %get3A_127 = vector.shape_cast %get3A_126 : vector<16xi32> to vector<16xi32>
      %and3A_128 = arith.constant 1073741824 : i32
      %and3A_129 = vector.broadcast %and3A_128 : i32 to vector<16xi32>
      %and3A_130 = arith.andi %get3A_127, %and3A_129 : vector<16xi32>
      %ne3A_131 = arith.cmpi ne, %and3A_130, %broadcast_in_dim3A_31 : vector<16xi32>
      %shift_right_logical3A_132 = arith.constant 14 : i32
      %shift_right_logical3A_133 = vector.broadcast %shift_right_logical3A_132 : i32 to vector<16xi32>
      %shift_right_logical3A_134 = arith.shrui %get3A_127, %shift_right_logical3A_133 : vector<16xi32>
      %and3A_135 = arith.constant 16383 : i32
      %and3A_136 = vector.broadcast %and3A_135 : i32 to vector<16xi32>
      %and3A_137 = arith.andi %shift_right_logical3A_134, %and3A_136 : vector<16xi32>
      %and3A_138 = arith.constant 16383 : i32
      %and3A_139 = vector.broadcast %and3A_138 : i32 to vector<16xi32>
      %and3A_140 = arith.andi %get3A_127, %and3A_139 : vector<16xi32>
      %select_n3A_141 = arith.select %ne3A_131, %broadcast_in_dim3A_29, %and3A_140 : vector<16xi1>, vector<16xi32>
      %eq3A_142 = arith.cmpi eq, %and3A_137, %and3A_140 : vector<16xi32>
      %or3A_143 = arith.ori %ne3A_131, %eq3A_142 : vector<16xi1>
      %select_n3A_144 = arith.select %or3A_143, %broadcast_in_dim3A_29, %and3A_137 : vector<16xi1>, vector<16xi32>
      %swap3A_145 = arith.constant 32 : index
      %swap3A_146 = tpu.vector_load %arg6[%swap3A_145] {strides = array<i32>} : memref<128xi32, #tpu.memory_space<vmem>>, vector<16xi32>,
      %swap3A_147 = vector.shape_cast %swap3A_146 : vector<16xi32> to vector<16xi32>
      %swap3A_148 = vector.shape_cast %select_n3A_141 : vector<16xi32> to vector<16xi32>
      tpu.vector_store %arg6[%swap3A_145], %swap3A_148 {strides = array<i32>} : memref<128xi32, #tpu.memory_space<vmem>>, vector<16xi32>,
      %swap3A_149 = arith.constant 96 : index
      %swap3A_150 = tpu.vector_load %arg6[%swap3A_149] {strides = array<i32>} : memref<128xi32, #tpu.memory_space<vmem>>, vector<16xi32>,
      %swap3A_151 = vector.shape_cast %swap3A_150 : vector<16xi32> to vector<16xi32>
      %swap3A_152 = vector.shape_cast %select_n3A_144 : vector<16xi32> to vector<16xi32>
      tpu.vector_store %arg6[%swap3A_149], %swap3A_152 {strides = array<i32>} : memref<128xi32, #tpu.memory_space<vmem>>, vector<16xi32>,
      %swap3A_153 = arith.constant 32 : index
      %swap3A_154 = tpu.vector_load %arg7[%swap3A_153] {strides = array<i32>} : memref<128xi32, #tpu.memory_space<vmem>>, vector<16xi32>,
      %swap3A_155 = vector.shape_cast %swap3A_154 : vector<16xi32> to vector<16xi32>
      %swap3A_156 = vector.shape_cast %and3A_137 : vector<16xi32> to vector<16xi32>
      tpu.vector_store %arg7[%swap3A_153], %swap3A_156 {strides = array<i32>} : memref<128xi32, #tpu.memory_space<vmem>>, vector<16xi32>,
      %swap3A_157 = arith.constant 96 : index
      %swap3A_158 = tpu.vector_load %arg7[%swap3A_157] {strides = array<i32>} : memref<128xi32, #tpu.memory_space<vmem>>, vector<16xi32>,
      %swap3A_159 = vector.shape_cast %swap3A_158 : vector<16xi32> to vector<16xi32>
      %swap3A_160 = vector.shape_cast %and3A_140 : vector<16xi32> to vector<16xi32>
      tpu.vector_store %arg7[%swap3A_157], %swap3A_160 {strides = array<i32>} : memref<128xi32, #tpu.memory_space<vmem>>, vector<16xi32>,
      %mul3A_161 = arith.constant 64 : i32
      %mul3A_162 = arith.muli %scan3A_47, %mul3A_161 : i32
      %add3A_163 = arith.constant 48 : i32
      %add3A_164 = arith.addi %mul3A_162, %add3A_163 : i32
      %get3A_165 = arith.index_cast %add3A_164 : i32 to index
      %get3A_166 = tpu.vector_load %arg5[%get3A_165] {strides = array<i32>} : memref<5056xi32, #tpu.memory_space<vmem>>, vector<16xi32>,
      %get3A_167 = vector.shape_cast %get3A_166 : vector<16xi32> to vector<16xi32>
      %and3A_168 = arith.constant 1073741824 : i32
      %and3A_169 = vector.broadcast %and3A_168 : i32 to vector<16xi32>
      %and3A_170 = arith.andi %get3A_167, %and3A_169 : vector<16xi32>
      %ne3A_171 = arith.cmpi ne, %and3A_170, %broadcast_in_dim3A_31 : vector<16xi32>
      %shift_right_logical3A_172 = arith.constant 14 : i32
      %shift_right_logical3A_173 = vector.broadcast %shift_right_logical3A_172 : i32 to vector<16xi32>
      %shift_right_logical3A_174 = arith.shrui %get3A_167, %shift_right_logical3A_173 : vector<16xi32>
      %and3A_175 = arith.constant 16383 : i32
      %and3A_176 = vector.broadcast %and3A_175 : i32 to vector<16xi32>
      %and3A_177 = arith.andi %shift_right_logical3A_174, %and3A_176 : vector<16xi32>
      %and3A_178 = arith.constant 16383 : i32
      %and3A_179 = vector.broadcast %and3A_178 : i32 to vector<16xi32>
      %and3A_180 = arith.andi %get3A_167, %and3A_179 : vector<16xi32>
      %select_n3A_181 = arith.select %ne3A_171, %broadcast_in_dim3A_29, %and3A_180 : vector<16xi1>, vector<16xi32>
      %eq3A_182 = arith.cmpi eq, %and3A_177, %and3A_180 : vector<16xi32>
      %or3A_183 = arith.ori %ne3A_171, %eq3A_182 : vector<16xi1>
      %select_n3A_184 = arith.select %or3A_183, %broadcast_in_dim3A_29, %and3A_177 : vector<16xi1>, vector<16xi32>
      %swap3A_185 = arith.constant 48 : index
      %swap3A_186 = tpu.vector_load %arg6[%swap3A_185] {strides = array<i32>} : memref<128xi32, #tpu.memory_space<vmem>>, vector<16xi32>,
      %swap3A_187 = vector.shape_cast %swap3A_186 : vector<16xi32> to vector<16xi32>
      %swap3A_188 = vector.shape_cast %select_n3A_181 : vector<16xi32> to vector<16xi32>
      tpu.vector_store %arg6[%swap3A_185], %swap3A_188 {strides = array<i32>} : memref<128xi32, #tpu.memory_space<vmem>>, vector<16xi32>,
      %swap3A_189 = arith.constant 112 : index
      %swap3A_190 = tpu.vector_load %arg6[%swap3A_189] {strides = array<i32>} : memref<128xi32, #tpu.memory_space<vmem>>, vector<16xi32>,
      %swap3A_191 = vector.shape_cast %swap3A_190 : vector<16xi32> to vector<16xi32>
      %swap3A_192 = vector.shape_cast %select_n3A_184 : vector<16xi32> to vector<16xi32>
      tpu.vector_store %arg6[%swap3A_189], %swap3A_192 {strides = array<i32>} : memref<128xi32, #tpu.memory_space<vmem>>, vector<16xi32>,
      %swap3A_193 = arith.constant 48 : index
      %swap3A_194 = tpu.vector_load %arg7[%swap3A_193] {strides = array<i32>} : memref<128xi32, #tpu.memory_space<vmem>>, vector<16xi32>,
      %swap3A_195 = vector.shape_cast %swap3A_194 : vector<16xi32> to vector<16xi32>
      %swap3A_196 = vector.shape_cast %and3A_177 : vector<16xi32> to vector<16xi32>
      tpu.vector_store %arg7[%swap3A_193], %swap3A_196 {strides = array<i32>} : memref<128xi32, #tpu.memory_space<vmem>>, vector<16xi32>,
      %swap3A_197 = arith.constant 112 : index
      %swap3A_198 = tpu.vector_load %arg7[%swap3A_197] {strides = array<i32>} : memref<128xi32, #tpu.memory_space<vmem>>, vector<16xi32>,
      %swap3A_199 = vector.shape_cast %swap3A_198 : vector<16xi32> to vector<16xi32>
      %swap3A_200 = vector.shape_cast %and3A_180 : vector<16xi32> to vector<16xi32>
      tpu.vector_store %arg7[%swap3A_197], %swap3A_200 {strides = array<i32>} : memref<128xi32, #tpu.memory_space<vmem>>, vector<16xi32>,
      %dma_start3A = arith.constant 0 : i32
      %dma_start3A_201 = arith.constant 0 : i32
      %dma_start3A_202 = tpu.memref_slice %arg2[%dma_start3A, %dma_start3A_201] : memref<10240x128xf32, #tpu.memory_space<hbm>> -> memref<10240x128xf32, #tpu.memory_space<hbm>>
      tpu.enqueue_indirect_dma source(%dma_start3A_202 : memref<10240x128xf32, #tpu.memory_space<hbm>>) target(%arg8 : memref<128x128xf32, #tpu.memory_space<vmem>>) offsets(%arg6 : memref<128xi32, #tpu.memory_space<vmem>>) semaphore(%arg10 : memref<!tpu.dma_semaphore, #tpu.memory_space<semaphore_mem>>)
      %dma_wait3A = arith.constant 0 : i32
      %dma_wait3A_203 = arith.constant 0 : i32
      %dma_wait3A_204 = tpu.memref_slice %arg2[%dma_wait3A, %dma_wait3A_203] : memref<10240x128xf32, #tpu.memory_space<hbm>> -> memref<10240x128xf32, #tpu.memory_space<hbm>>
      tpu.wait_indirect_dma semaphore(%arg10 : memref<!tpu.dma_semaphore, #tpu.memory_space<semaphore_mem>>) src(%dma_wait3A_204 : memref<10240x128xf32, #tpu.memory_space<hbm>>) dst(%arg8 : memref<128x128xf32, #tpu.memory_space<vmem>>)
      "tpu.region"() ({
        %run_scoped3A = tpu.sem_alloc : memref<!tpu.dma_semaphore, #tpu.memory_space<semaphore_mem>>
        %dma_start3A_206 = arith.constant 0 : i32
        %dma_start3A_207 = arith.constant 0 : i32
        %dma_start3A_208 = tpu.memref_slice %arg9[%dma_start3A_206, %dma_start3A_207] : memref<10240x128xf32, #tpu.memory_space<vmem_shared>> -> memref<10240x128xf32, #tpu.memory_space<vmem_shared>>
        tpu.enqueue_indirect_dma source(%arg8 : memref<128x128xf32, #tpu.memory_space<vmem>>) target(%dma_start3A_208 : memref<10240x128xf32, #tpu.memory_space<vmem_shared>>) offsets(%arg7 : memref<128xi32, #tpu.memory_space<vmem>>) semaphore(%run_scoped3A : memref<!tpu.dma_semaphore, #tpu.memory_space<semaphore_mem>>) {add = true}
        %dma_wait3A_209 = arith.constant 0 : i32
        %dma_wait3A_210 = arith.constant 0 : i32
        %dma_wait3A_211 = tpu.memref_slice %arg9[%dma_wait3A_209, %dma_wait3A_210] : memref<10240x128xf32, #tpu.memory_space<vmem_shared>> -> memref<10240x128xf32, #tpu.memory_space<vmem_shared>>
        tpu.wait_indirect_dma semaphore(%run_scoped3A : memref<!tpu.dma_semaphore, #tpu.memory_space<semaphore_mem>>) src(%arg8 : memref<128x128xf32, #tpu.memory_space<vmem>>) dst(%dma_wait3A_211 : memref<10240x128xf32, #tpu.memory_space<vmem_shared>>)
        tpu.yield
      }) : () -> ()
      %scan3A_205 = arith.constant 0 : i32
      scf.yield %scan3A_205 : i32
    }
    %scan3A_38 = arith.constant 79 : i32
    %barrier3A_39 = arith.constant 0 : index
    tpu.barrier barrier_id(%barrier3A_39)
    %mul3A_40 = arith.constant 640 : i32
    %mul3A_41 = arith.muli %arg1, %mul3A_40 : i32
    %mul3A_42 = arith.constant 10240 : i32
    %mul3A_43 = arith.muli %arg0, %mul3A_42 : i32
    %mul3A_44 = arith.constant 640 : i32
    %mul3A_45 = arith.muli %arg1, %mul3A_44 : i32
    %add3A_46 = arith.addi %mul3A_43, %mul3A_45 : i32
    "tpu.region"() ({
      %run_scoped3A = tpu.sem_alloc : memref<!tpu.dma_semaphore, #tpu.memory_space<semaphore_mem>>
      %dma_start3A = arith.constant 0 : i32
      %dma_start3A_47 = tpu.memref_slice %arg4[%add3A_46, %dma_start3A] : memref<20480x128xf32, #tpu.memory_space<hbm>> -> memref<640x128xf32, #tpu.memory_space<hbm>>
      %dma_start3A_48 = arith.constant 0 : i32
      %dma_start3A_49 = tpu.memref_slice %arg9[%mul3A_41, %dma_start3A_48] : memref<10240x128xf32, #tpu.memory_space<vmem_shared>> -> memref<640x128xf32, #tpu.memory_space<vmem_shared>>
      tpu.enqueue_dma source(%dma_start3A_49 : memref<640x128xf32, #tpu.memory_space<vmem_shared>>) target(%dma_start3A_47 : memref<640x128xf32, #tpu.memory_space<hbm>>) target_semaphore(%run_scoped3A : memref<!tpu.dma_semaphore, #tpu.memory_space<semaphore_mem>>)
      %dma_wait3A = arith.constant 0 : i32
      %dma_wait3A_50 = tpu.memref_slice %arg4[%add3A_46, %dma_wait3A] : memref<20480x128xf32, #tpu.memory_space<hbm>> -> memref<640x128xf32, #tpu.memory_space<hbm>>
      %dma_wait3A_51 = arith.constant 0 : i32
      %dma_wait3A_52 = tpu.memref_slice %arg9[%mul3A_41, %dma_wait3A_51] : memref<10240x128xf32, #tpu.memory_space<vmem_shared>> -> memref<640x128xf32, #tpu.memory_space<vmem_shared>>
      tpu.wait_dma2 semaphore(%run_scoped3A : memref<!tpu.dma_semaphore, #tpu.memory_space<semaphore_mem>>) src(%dma_wait3A_52 : memref<640x128xf32, #tpu.memory_space<vmem_shared>>) dst(%dma_wait3A_50 : memref<640x128xf32, #tpu.memory_space<hbm>>)
      tpu.yield
    }) : () -> ()
    return
  }
}

#map = affine_map<(d0, d1) -> (0, 0)>
#map1 = affine_map<(d0, d1) -> (0)>
module attributes {stable_mosaic.version = 14 : i64} {
  func.func @agg(%arg0: i32, %arg1: i32, %arg2: memref<10240x128xf32, #tpu.memory_space<hbm>>, %arg3: memref<161792xi32, #tpu.memory_space<hbm>>, %arg4: memref<20480x128xf32, #tpu.memory_space<hbm>>, %arg5: memref<5056xi32, #tpu.memory_space<vmem>>, %arg6: memref<128xi32, #tpu.memory_space<vmem>>, %arg7: memref<128xi32, #tpu.memory_space<vmem>>, %arg8: memref<128x128xf32, #tpu.memory_space<vmem>>, %arg9: memref<10240x128xf32, #tpu.memory_space<vmem_shared>>, %arg10: memref<!tpu.dma_semaphore, #tpu.memory_space<semaphore_mem>>) attributes {dimension_semantics = [#tpu.dimension_semantics<core_parallel>, #tpu.dimension_semantics<subcore_parallel>], iteration_bounds = array<i64: 2, 16>, scalar_prefetch = 0 : i64, scratch_operands = 6 : i64, tpu.core_type = #tpu.core_type<sc_vector_subcore>, window_params = [{transform_indices = #map}, {transform_indices = #map1}, {transform_indices = #map}]} {
    %mul3A = arith.constant 16 : i32
    %mul3A_0 = arith.muli %arg0, %mul3A : i32
    %add3A = arith.addi %mul3A_0, %arg1 : i32
    %mul3A_1 = arith.constant 5056 : i32
    %mul3A_2 = arith.muli %add3A, %mul3A_1 : i32
    "tpu.region"() ({
      %run_scoped3A = tpu.sem_alloc : memref<!tpu.dma_semaphore, #tpu.memory_space<semaphore_mem>>
      %dma_start3A = tpu.memref_slice %arg3[%mul3A_2] : memref<161792xi32, #tpu.memory_space<hbm>> -> memref<5056xi32, #tpu.memory_space<hbm>>
      %dma_start3A_47 = tpu.memref_slice %arg3[%mul3A_2] : memref<161792xi32, #tpu.memory_space<hbm>> -> memref<5056xi32, #tpu.memory_space<hbm>>
      tpu.enqueue_dma source(%dma_start3A_47 : memref<5056xi32, #tpu.memory_space<hbm>>) target(%arg5 : memref<5056xi32, #tpu.memory_space<vmem>>) target_semaphore(%run_scoped3A : memref<!tpu.dma_semaphore, #tpu.memory_space<semaphore_mem>>)
      %dma_wait3A = tpu.memref_slice %arg3[%mul3A_2] : memref<161792xi32, #tpu.memory_space<hbm>> -> memref<5056xi32, #tpu.memory_space<hbm>>
      %dma_wait3A_48 = tpu.memref_slice %arg3[%mul3A_2] : memref<161792xi32, #tpu.memory_space<hbm>> -> memref<5056xi32, #tpu.memory_space<hbm>>
      tpu.wait_dma2 semaphore(%run_scoped3A : memref<!tpu.dma_semaphore, #tpu.memory_space<semaphore_mem>>) src(%dma_wait3A_48 : memref<5056xi32, #tpu.memory_space<hbm>>) dst(%arg5 : memref<5056xi32, #tpu.memory_space<vmem>>)
      tpu.yield
    }) : () -> ()
    %scan3A = arith.constant 0 : i32
    %scan3A_3 = arith.constant 0 : i32
    %scan3A_4 = arith.constant 1024 : i32
    %scan3A_5 = arith.addi %scan3A_3, %scan3A_4 : i32
    %scan3A_6 = arith.constant 1 : i32
    %scan3A_7 = scf.for %scan3A_47 = %scan3A_3 to %scan3A_5 step %scan3A_6 iter_args(%scan3A_48 = %scan3A) -> (i32)  : i32 {
      %jit3A = arith.constant 8 : i32
      %div3A = arith.divsi %scan3A_47, %jit3A : i32
      %sign3A = arith.constant 0 : i32
      %sign3A_49 = arith.cmpi sgt, %scan3A_47, %sign3A : i32
      %sign3A_50 = arith.extui %sign3A_49 : i1 to i32
      %sign3A_51 = arith.constant 0 : i32
      %sign3A_52 = arith.cmpi slt, %scan3A_47, %sign3A_51 : i32
      %sign3A_53 = arith.extui %sign3A_52 : i1 to i32
      %sign3A_54 = arith.subi %sign3A_50, %sign3A_53 : i32
      %sign3A_55 = arith.constant 0 : i32
      %sign3A_56 = arith.cmpi sgt, %jit3A, %sign3A_55 : i32
      %sign3A_57 = arith.extui %sign3A_56 : i1 to i32
      %sign3A_58 = arith.constant 0 : i32
      %sign3A_59 = arith.cmpi slt, %jit3A, %sign3A_58 : i32
      %sign3A_60 = arith.extui %sign3A_59 : i1 to i32
      %sign3A_61 = arith.subi %sign3A_57, %sign3A_60 : i32
      %ne3A = arith.cmpi ne, %sign3A_54, %sign3A_61 : i32
      %rem3A = arith.remsi %scan3A_47, %jit3A : i32
      %ne3A_62 = arith.constant 0 : i32
      %ne3A_63 = arith.cmpi ne, %rem3A, %ne3A_62 : i32
      %and3A = arith.andi %ne3A, %ne3A_63 : i1
      %sub3A = arith.constant 1 : i32
      %sub3A_64 = arith.subi %div3A, %sub3A : i32
      %select_n3A = arith.select %and3A, %sub3A_64, %div3A : i32
      %mul3A_65 = arith.constant 8 : i32
      %mul3A_66 = arith.muli %select_n3A, %mul3A_65 : i32
      %sub3A_67 = arith.subi %scan3A_47, %mul3A_66 : i32
      %broadcast_in_dim3A_68 = arith.constant 0.000000e+00 : f32
      %broadcast_in_dim3A_69 = vector.broadcast %broadcast_in_dim3A_68 : f32 to vector<16xf32>
      %mul3A_70 = arith.constant 16 : i32
      %mul3A_71 = arith.muli %sub3A_67, %mul3A_70 : i32
      %swap3A = arith.index_cast %select_n3A : i32 to index
      %swap3A_72 = arith.index_cast %mul3A_71 : i32 to index
      %swap3A_73 = tpu.vector_load %arg8[%swap3A, %swap3A_72] {strides = array<i32>} : memref<128x128xf32, #tpu.memory_space<vmem>>, vector<1x16xf32>,
      %swap3A_74 = vector.shape_cast %swap3A_73 : vector<1x16xf32> to vector<16xf32>
      %swap3A_75 = vector.shape_cast %broadcast_in_dim3A_69 : vector<16xf32> to vector<1x16xf32>
      tpu.vector_store %arg8[%swap3A, %swap3A_72], %swap3A_75 {strides = array<i32>} : memref<128x128xf32, #tpu.memory_space<vmem>>, vector<1x16xf32>,
      %scan3A_76 = arith.constant 0 : i32
      scf.yield %scan3A_76 : i32
    }
    %scan3A_8 = arith.constant 1024 : i32
    %mul3A_9 = arith.constant 640 : i32
    %mul3A_10 = arith.muli %arg1, %mul3A_9 : i32
    %add3A_11 = arith.constant 0 : i32
    %add3A_12 = arith.addi %mul3A_10, %add3A_11 : i32
    "tpu.region"() ({
      %run_scoped3A = tpu.sem_alloc : memref<!tpu.dma_semaphore, #tpu.memory_space<semaphore_mem>>
      %dma_start3A = arith.constant 0 : i32
      %dma_start3A_47 = tpu.memref_slice %arg9[%add3A_12, %dma_start3A] : memref<10240x128xf32, #tpu.memory_space<vmem_shared>> -> memref<128x128xf32, #tpu.memory_space<vmem_shared>>
      %dma_start3A_48 = arith.constant 0 : i32
      %dma_start3A_49 = tpu.memref_slice %arg9[%add3A_12, %dma_start3A_48] : memref<10240x128xf32, #tpu.memory_space<vmem_shared>> -> memref<128x128xf32, #tpu.memory_space<vmem_shared>>
      tpu.enqueue_dma source(%arg8 : memref<128x128xf32, #tpu.memory_space<vmem>>) target(%dma_start3A_49 : memref<128x128xf32, #tpu.memory_space<vmem_shared>>) target_semaphore(%run_scoped3A : memref<!tpu.dma_semaphore, #tpu.memory_space<semaphore_mem>>)
      %dma_wait3A = arith.constant 0 : i32
      %dma_wait3A_50 = tpu.memref_slice %arg9[%add3A_12, %dma_wait3A] : memref<10240x128xf32, #tpu.memory_space<vmem_shared>> -> memref<128x128xf32, #tpu.memory_space<vmem_shared>>
      %dma_wait3A_51 = arith.constant 0 : i32
      %dma_wait3A_52 = tpu.memref_slice %arg9[%add3A_12, %dma_wait3A_51] : memref<10240x128xf32, #tpu.memory_space<vmem_shared>> -> memref<128x128xf32, #tpu.memory_space<vmem_shared>>
      tpu.wait_dma2 semaphore(%run_scoped3A : memref<!tpu.dma_semaphore, #tpu.memory_space<semaphore_mem>>) src(%arg8 : memref<128x128xf32, #tpu.memory_space<vmem>>) dst(%dma_wait3A_52 : memref<128x128xf32, #tpu.memory_space<vmem_shared>>)
      tpu.yield
    }) : () -> ()
    %mul3A_13 = arith.constant 640 : i32
    %mul3A_14 = arith.muli %arg1, %mul3A_13 : i32
    %add3A_15 = arith.constant 128 : i32
    %add3A_16 = arith.addi %mul3A_14, %add3A_15 : i32
    "tpu.region"() ({
      %run_scoped3A = tpu.sem_alloc : memref<!tpu.dma_semaphore, #tpu.memory_space<semaphore_mem>>
      %dma_start3A = arith.constant 0 : i32
      %dma_start3A_47 = tpu.memref_slice %arg9[%add3A_16, %dma_start3A] : memref<10240x128xf32, #tpu.memory_space<vmem_shared>> -> memref<128x128xf32, #tpu.memory_space<vmem_shared>>
      %dma_start3A_48 = arith.constant 0 : i32
      %dma_start3A_49 = tpu.memref_slice %arg9[%add3A_16, %dma_start3A_48] : memref<10240x128xf32, #tpu.memory_space<vmem_shared>> -> memref<128x128xf32, #tpu.memory_space<vmem_shared>>
      tpu.enqueue_dma source(%arg8 : memref<128x128xf32, #tpu.memory_space<vmem>>) target(%dma_start3A_49 : memref<128x128xf32, #tpu.memory_space<vmem_shared>>) target_semaphore(%run_scoped3A : memref<!tpu.dma_semaphore, #tpu.memory_space<semaphore_mem>>)
      %dma_wait3A = arith.constant 0 : i32
      %dma_wait3A_50 = tpu.memref_slice %arg9[%add3A_16, %dma_wait3A] : memref<10240x128xf32, #tpu.memory_space<vmem_shared>> -> memref<128x128xf32, #tpu.memory_space<vmem_shared>>
      %dma_wait3A_51 = arith.constant 0 : i32
      %dma_wait3A_52 = tpu.memref_slice %arg9[%add3A_16, %dma_wait3A_51] : memref<10240x128xf32, #tpu.memory_space<vmem_shared>> -> memref<128x128xf32, #tpu.memory_space<vmem_shared>>
      tpu.wait_dma2 semaphore(%run_scoped3A : memref<!tpu.dma_semaphore, #tpu.memory_space<semaphore_mem>>) src(%arg8 : memref<128x128xf32, #tpu.memory_space<vmem>>) dst(%dma_wait3A_52 : memref<128x128xf32, #tpu.memory_space<vmem_shared>>)
      tpu.yield
    }) : () -> ()
    %mul3A_17 = arith.constant 640 : i32
    %mul3A_18 = arith.muli %arg1, %mul3A_17 : i32
    %add3A_19 = arith.constant 256 : i32
    %add3A_20 = arith.addi %mul3A_18, %add3A_19 : i32
    "tpu.region"() ({
      %run_scoped3A = tpu.sem_alloc : memref<!tpu.dma_semaphore, #tpu.memory_space<semaphore_mem>>
      %dma_start3A = arith.constant 0 : i32
      %dma_start3A_47 = tpu.memref_slice %arg9[%add3A_20, %dma_start3A] : memref<10240x128xf32, #tpu.memory_space<vmem_shared>> -> memref<128x128xf32, #tpu.memory_space<vmem_shared>>
      %dma_start3A_48 = arith.constant 0 : i32
      %dma_start3A_49 = tpu.memref_slice %arg9[%add3A_20, %dma_start3A_48] : memref<10240x128xf32, #tpu.memory_space<vmem_shared>> -> memref<128x128xf32, #tpu.memory_space<vmem_shared>>
      tpu.enqueue_dma source(%arg8 : memref<128x128xf32, #tpu.memory_space<vmem>>) target(%dma_start3A_49 : memref<128x128xf32, #tpu.memory_space<vmem_shared>>) target_semaphore(%run_scoped3A : memref<!tpu.dma_semaphore, #tpu.memory_space<semaphore_mem>>)
      %dma_wait3A = arith.constant 0 : i32
      %dma_wait3A_50 = tpu.memref_slice %arg9[%add3A_20, %dma_wait3A] : memref<10240x128xf32, #tpu.memory_space<vmem_shared>> -> memref<128x128xf32, #tpu.memory_space<vmem_shared>>
      %dma_wait3A_51 = arith.constant 0 : i32
      %dma_wait3A_52 = tpu.memref_slice %arg9[%add3A_20, %dma_wait3A_51] : memref<10240x128xf32, #tpu.memory_space<vmem_shared>> -> memref<128x128xf32, #tpu.memory_space<vmem_shared>>
      tpu.wait_dma2 semaphore(%run_scoped3A : memref<!tpu.dma_semaphore, #tpu.memory_space<semaphore_mem>>) src(%arg8 : memref<128x128xf32, #tpu.memory_space<vmem>>) dst(%dma_wait3A_52 : memref<128x128xf32, #tpu.memory_space<vmem_shared>>)
      tpu.yield
    }) : () -> ()
    %mul3A_21 = arith.constant 640 : i32
    %mul3A_22 = arith.muli %arg1, %mul3A_21 : i32
    %add3A_23 = arith.constant 384 : i32
    %add3A_24 = arith.addi %mul3A_22, %add3A_23 : i32
    "tpu.region"() ({
      %run_scoped3A = tpu.sem_alloc : memref<!tpu.dma_semaphore, #tpu.memory_space<semaphore_mem>>
      %dma_start3A = arith.constant 0 : i32
      %dma_start3A_47 = tpu.memref_slice %arg9[%add3A_24, %dma_start3A] : memref<10240x128xf32, #tpu.memory_space<vmem_shared>> -> memref<128x128xf32, #tpu.memory_space<vmem_shared>>
      %dma_start3A_48 = arith.constant 0 : i32
      %dma_start3A_49 = tpu.memref_slice %arg9[%add3A_24, %dma_start3A_48] : memref<10240x128xf32, #tpu.memory_space<vmem_shared>> -> memref<128x128xf32, #tpu.memory_space<vmem_shared>>
      tpu.enqueue_dma source(%arg8 : memref<128x128xf32, #tpu.memory_space<vmem>>) target(%dma_start3A_49 : memref<128x128xf32, #tpu.memory_space<vmem_shared>>) target_semaphore(%run_scoped3A : memref<!tpu.dma_semaphore, #tpu.memory_space<semaphore_mem>>)
      %dma_wait3A = arith.constant 0 : i32
      %dma_wait3A_50 = tpu.memref_slice %arg9[%add3A_24, %dma_wait3A] : memref<10240x128xf32, #tpu.memory_space<vmem_shared>> -> memref<128x128xf32, #tpu.memory_space<vmem_shared>>
      %dma_wait3A_51 = arith.constant 0 : i32
      %dma_wait3A_52 = tpu.memref_slice %arg9[%add3A_24, %dma_wait3A_51] : memref<10240x128xf32, #tpu.memory_space<vmem_shared>> -> memref<128x128xf32, #tpu.memory_space<vmem_shared>>
      tpu.wait_dma2 semaphore(%run_scoped3A : memref<!tpu.dma_semaphore, #tpu.memory_space<semaphore_mem>>) src(%arg8 : memref<128x128xf32, #tpu.memory_space<vmem>>) dst(%dma_wait3A_52 : memref<128x128xf32, #tpu.memory_space<vmem_shared>>)
      tpu.yield
    }) : () -> ()
    %mul3A_25 = arith.constant 640 : i32
    %mul3A_26 = arith.muli %arg1, %mul3A_25 : i32
    %add3A_27 = arith.constant 512 : i32
    %add3A_28 = arith.addi %mul3A_26, %add3A_27 : i32
    "tpu.region"() ({
      %run_scoped3A = tpu.sem_alloc : memref<!tpu.dma_semaphore, #tpu.memory_space<semaphore_mem>>
      %dma_start3A = arith.constant 0 : i32
      %dma_start3A_47 = tpu.memref_slice %arg9[%add3A_28, %dma_start3A] : memref<10240x128xf32, #tpu.memory_space<vmem_shared>> -> memref<128x128xf32, #tpu.memory_space<vmem_shared>>
      %dma_start3A_48 = arith.constant 0 : i32
      %dma_start3A_49 = tpu.memref_slice %arg9[%add3A_28, %dma_start3A_48] : memref<10240x128xf32, #tpu.memory_space<vmem_shared>> -> memref<128x128xf32, #tpu.memory_space<vmem_shared>>
      tpu.enqueue_dma source(%arg8 : memref<128x128xf32, #tpu.memory_space<vmem>>) target(%dma_start3A_49 : memref<128x128xf32, #tpu.memory_space<vmem_shared>>) target_semaphore(%run_scoped3A : memref<!tpu.dma_semaphore, #tpu.memory_space<semaphore_mem>>)
      %dma_wait3A = arith.constant 0 : i32
      %dma_wait3A_50 = tpu.memref_slice %arg9[%add3A_28, %dma_wait3A] : memref<10240x128xf32, #tpu.memory_space<vmem_shared>> -> memref<128x128xf32, #tpu.memory_space<vmem_shared>>
      %dma_wait3A_51 = arith.constant 0 : i32
      %dma_wait3A_52 = tpu.memref_slice %arg9[%add3A_28, %dma_wait3A_51] : memref<10240x128xf32, #tpu.memory_space<vmem_shared>> -> memref<128x128xf32, #tpu.memory_space<vmem_shared>>
      tpu.wait_dma2 semaphore(%run_scoped3A : memref<!tpu.dma_semaphore, #tpu.memory_space<semaphore_mem>>) src(%arg8 : memref<128x128xf32, #tpu.memory_space<vmem>>) dst(%dma_wait3A_52 : memref<128x128xf32, #tpu.memory_space<vmem_shared>>)
      tpu.yield
    }) : () -> ()
    %barrier3A = arith.constant 0 : index
    tpu.barrier barrier_id(%barrier3A)
    %broadcast_in_dim3A = arith.constant 10000 : i32
    %broadcast_in_dim3A_29 = vector.broadcast %broadcast_in_dim3A : i32 to vector<16xi32>
    %broadcast_in_dim3A_30 = arith.constant 0 : i32
    %broadcast_in_dim3A_31 = vector.broadcast %broadcast_in_dim3A_30 : i32 to vector<16xi32>
    %scan3A_32 = arith.constant 0 : i32
    %scan3A_33 = arith.constant 0 : i32
    %scan3A_34 = arith.constant 79 : i32
    %scan3A_35 = arith.addi %scan3A_33, %scan3A_34 : i32
    %scan3A_36 = arith.constant 1 : i32
    %scan3A_37 = scf.for %scan3A_47 = %scan3A_33 to %scan3A_35 step %scan3A_36 iter_args(%scan3A_48 = %scan3A_32) -> (i32)  : i32 {
      %mul3A_49 = arith.constant 64 : i32
      %mul3A_50 = arith.muli %scan3A_47, %mul3A_49 : i32
      %add3A_51 = arith.constant 0 : i32
      %add3A_52 = arith.addi %mul3A_50, %add3A_51 : i32
      %get3A = arith.index_cast %add3A_52 : i32 to index
      %get3A_53 = tpu.vector_load %arg5[%get3A] {strides = array<i32>} : memref<5056xi32, #tpu.memory_space<vmem>>, vector<16xi32>,
      %get3A_54 = vector.shape_cast %get3A_53 : vector<16xi32> to vector<16xi32>
      %and3A = arith.constant 1073741824 : i32
      %and3A_55 = vector.broadcast %and3A : i32 to vector<16xi32>
      %and3A_56 = arith.andi %get3A_54, %and3A_55 : vector<16xi32>
      %ne3A = arith.cmpi ne, %and3A_56, %broadcast_in_dim3A_31 : vector<16xi32>
      %shift_right_logical3A = arith.constant 14 : i32
      %shift_right_logical3A_57 = vector.broadcast %shift_right_logical3A : i32 to vector<16xi32>
      %shift_right_logical3A_58 = arith.shrui %get3A_54, %shift_right_logical3A_57 : vector<16xi32>
      %and3A_59 = arith.constant 16383 : i32
      %and3A_60 = vector.broadcast %and3A_59 : i32 to vector<16xi32>
      %and3A_61 = arith.andi %shift_right_logical3A_58, %and3A_60 : vector<16xi32>
      %and3A_62 = arith.constant 16383 : i32
      %and3A_63 = vector.broadcast %and3A_62 : i32 to vector<16xi32>
      %and3A_64 = arith.andi %get3A_54, %and3A_63 : vector<16xi32>
      %select_n3A = arith.select %ne3A, %broadcast_in_dim3A_29, %and3A_64 : vector<16xi1>, vector<16xi32>
      %eq3A = arith.cmpi eq, %and3A_61, %and3A_64 : vector<16xi32>
      %or3A = arith.ori %ne3A, %eq3A : vector<16xi1>
      %select_n3A_65 = arith.select %or3A, %broadcast_in_dim3A_29, %and3A_61 : vector<16xi1>, vector<16xi32>
      %swap3A = arith.constant 0 : index
      %swap3A_66 = tpu.vector_load %arg6[%swap3A] {strides = array<i32>} : memref<128xi32, #tpu.memory_space<vmem>>, vector<16xi32>,
      %swap3A_67 = vector.shape_cast %swap3A_66 : vector<16xi32> to vector<16xi32>
      %swap3A_68 = vector.shape_cast %select_n3A : vector<16xi32> to vector<16xi32>
      tpu.vector_store %arg6[%swap3A], %swap3A_68 {strides = array<i32>} : memref<128xi32, #tpu.memory_space<vmem>>, vector<16xi32>,
      %swap3A_69 = arith.constant 64 : index
      %swap3A_70 = tpu.vector_load %arg6[%swap3A_69] {strides = array<i32>} : memref<128xi32, #tpu.memory_space<vmem>>, vector<16xi32>,
      %swap3A_71 = vector.shape_cast %swap3A_70 : vector<16xi32> to vector<16xi32>
      %swap3A_72 = vector.shape_cast %select_n3A_65 : vector<16xi32> to vector<16xi32>
      tpu.vector_store %arg6[%swap3A_69], %swap3A_72 {strides = array<i32>} : memref<128xi32, #tpu.memory_space<vmem>>, vector<16xi32>,
      %swap3A_73 = arith.constant 0 : index
      %swap3A_74 = tpu.vector_load %arg7[%swap3A_73] {strides = array<i32>} : memref<128xi32, #tpu.memory_space<vmem>>, vector<16xi32>,
      %swap3A_75 = vector.shape_cast %swap3A_74 : vector<16xi32> to vector<16xi32>
      %swap3A_76 = vector.shape_cast %and3A_61 : vector<16xi32> to vector<16xi32>
      tpu.vector_store %arg7[%swap3A_73], %swap3A_76 {strides = array<i32>} : memref<128xi32, #tpu.memory_space<vmem>>, vector<16xi32>,
      %swap3A_77 = arith.constant 64 : index
      %swap3A_78 = tpu.vector_load %arg7[%swap3A_77] {strides = array<i32>} : memref<128xi32, #tpu.memory_space<vmem>>, vector<16xi32>,
      %swap3A_79 = vector.shape_cast %swap3A_78 : vector<16xi32> to vector<16xi32>
      %swap3A_80 = vector.shape_cast %and3A_64 : vector<16xi32> to vector<16xi32>
      tpu.vector_store %arg7[%swap3A_77], %swap3A_80 {strides = array<i32>} : memref<128xi32, #tpu.memory_space<vmem>>, vector<16xi32>,
      %mul3A_81 = arith.constant 64 : i32
      %mul3A_82 = arith.muli %scan3A_47, %mul3A_81 : i32
      %add3A_83 = arith.constant 16 : i32
      %add3A_84 = arith.addi %mul3A_82, %add3A_83 : i32
      %get3A_85 = arith.index_cast %add3A_84 : i32 to index
      %get3A_86 = tpu.vector_load %arg5[%get3A_85] {strides = array<i32>} : memref<5056xi32, #tpu.memory_space<vmem>>, vector<16xi32>,
      %get3A_87 = vector.shape_cast %get3A_86 : vector<16xi32> to vector<16xi32>
      %and3A_88 = arith.constant 1073741824 : i32
      %and3A_89 = vector.broadcast %and3A_88 : i32 to vector<16xi32>
      %and3A_90 = arith.andi %get3A_87, %and3A_89 : vector<16xi32>
      %ne3A_91 = arith.cmpi ne, %and3A_90, %broadcast_in_dim3A_31 : vector<16xi32>
      %shift_right_logical3A_92 = arith.constant 14 : i32
      %shift_right_logical3A_93 = vector.broadcast %shift_right_logical3A_92 : i32 to vector<16xi32>
      %shift_right_logical3A_94 = arith.shrui %get3A_87, %shift_right_logical3A_93 : vector<16xi32>
      %and3A_95 = arith.constant 16383 : i32
      %and3A_96 = vector.broadcast %and3A_95 : i32 to vector<16xi32>
      %and3A_97 = arith.andi %shift_right_logical3A_94, %and3A_96 : vector<16xi32>
      %and3A_98 = arith.constant 16383 : i32
      %and3A_99 = vector.broadcast %and3A_98 : i32 to vector<16xi32>
      %and3A_100 = arith.andi %get3A_87, %and3A_99 : vector<16xi32>
      %select_n3A_101 = arith.select %ne3A_91, %broadcast_in_dim3A_29, %and3A_100 : vector<16xi1>, vector<16xi32>
      %eq3A_102 = arith.cmpi eq, %and3A_97, %and3A_100 : vector<16xi32>
      %or3A_103 = arith.ori %ne3A_91, %eq3A_102 : vector<16xi1>
      %select_n3A_104 = arith.select %or3A_103, %broadcast_in_dim3A_29, %and3A_97 : vector<16xi1>, vector<16xi32>
      %swap3A_105 = arith.constant 16 : index
      %swap3A_106 = tpu.vector_load %arg6[%swap3A_105] {strides = array<i32>} : memref<128xi32, #tpu.memory_space<vmem>>, vector<16xi32>,
      %swap3A_107 = vector.shape_cast %swap3A_106 : vector<16xi32> to vector<16xi32>
      %swap3A_108 = vector.shape_cast %select_n3A_101 : vector<16xi32> to vector<16xi32>
      tpu.vector_store %arg6[%swap3A_105], %swap3A_108 {strides = array<i32>} : memref<128xi32, #tpu.memory_space<vmem>>, vector<16xi32>,
      %swap3A_109 = arith.constant 80 : index
      %swap3A_110 = tpu.vector_load %arg6[%swap3A_109] {strides = array<i32>} : memref<128xi32, #tpu.memory_space<vmem>>, vector<16xi32>,
      %swap3A_111 = vector.shape_cast %swap3A_110 : vector<16xi32> to vector<16xi32>
      %swap3A_112 = vector.shape_cast %select_n3A_104 : vector<16xi32> to vector<16xi32>
      tpu.vector_store %arg6[%swap3A_109], %swap3A_112 {strides = array<i32>} : memref<128xi32, #tpu.memory_space<vmem>>, vector<16xi32>,
      %swap3A_113 = arith.constant 16 : index
      %swap3A_114 = tpu.vector_load %arg7[%swap3A_113] {strides = array<i32>} : memref<128xi32, #tpu.memory_space<vmem>>, vector<16xi32>,
      %swap3A_115 = vector.shape_cast %swap3A_114 : vector<16xi32> to vector<16xi32>
      %swap3A_116 = vector.shape_cast %and3A_97 : vector<16xi32> to vector<16xi32>
      tpu.vector_store %arg7[%swap3A_113], %swap3A_116 {strides = array<i32>} : memref<128xi32, #tpu.memory_space<vmem>>, vector<16xi32>,
      %swap3A_117 = arith.constant 80 : index
      %swap3A_118 = tpu.vector_load %arg7[%swap3A_117] {strides = array<i32>} : memref<128xi32, #tpu.memory_space<vmem>>, vector<16xi32>,
      %swap3A_119 = vector.shape_cast %swap3A_118 : vector<16xi32> to vector<16xi32>
      %swap3A_120 = vector.shape_cast %and3A_100 : vector<16xi32> to vector<16xi32>
      tpu.vector_store %arg7[%swap3A_117], %swap3A_120 {strides = array<i32>} : memref<128xi32, #tpu.memory_space<vmem>>, vector<16xi32>,
      %mul3A_121 = arith.constant 64 : i32
      %mul3A_122 = arith.muli %scan3A_47, %mul3A_121 : i32
      %add3A_123 = arith.constant 32 : i32
      %add3A_124 = arith.addi %mul3A_122, %add3A_123 : i32
      %get3A_125 = arith.index_cast %add3A_124 : i32 to index
      %get3A_126 = tpu.vector_load %arg5[%get3A_125] {strides = array<i32>} : memref<5056xi32, #tpu.memory_space<vmem>>, vector<16xi32>,
      %get3A_127 = vector.shape_cast %get3A_126 : vector<16xi32> to vector<16xi32>
      %and3A_128 = arith.constant 1073741824 : i32
      %and3A_129 = vector.broadcast %and3A_128 : i32 to vector<16xi32>
      %and3A_130 = arith.andi %get3A_127, %and3A_129 : vector<16xi32>
      %ne3A_131 = arith.cmpi ne, %and3A_130, %broadcast_in_dim3A_31 : vector<16xi32>
      %shift_right_logical3A_132 = arith.constant 14 : i32
      %shift_right_logical3A_133 = vector.broadcast %shift_right_logical3A_132 : i32 to vector<16xi32>
      %shift_right_logical3A_134 = arith.shrui %get3A_127, %shift_right_logical3A_133 : vector<16xi32>
      %and3A_135 = arith.constant 16383 : i32
      %and3A_136 = vector.broadcast %and3A_135 : i32 to vector<16xi32>
      %and3A_137 = arith.andi %shift_right_logical3A_134, %and3A_136 : vector<16xi32>
      %and3A_138 = arith.constant 16383 : i32
      %and3A_139 = vector.broadcast %and3A_138 : i32 to vector<16xi32>
      %and3A_140 = arith.andi %get3A_127, %and3A_139 : vector<16xi32>
      %select_n3A_141 = arith.select %ne3A_131, %broadcast_in_dim3A_29, %and3A_140 : vector<16xi1>, vector<16xi32>
      %eq3A_142 = arith.cmpi eq, %and3A_137, %and3A_140 : vector<16xi32>
      %or3A_143 = arith.ori %ne3A_131, %eq3A_142 : vector<16xi1>
      %select_n3A_144 = arith.select %or3A_143, %broadcast_in_dim3A_29, %and3A_137 : vector<16xi1>, vector<16xi32>
      %swap3A_145 = arith.constant 32 : index
      %swap3A_146 = tpu.vector_load %arg6[%swap3A_145] {strides = array<i32>} : memref<128xi32, #tpu.memory_space<vmem>>, vector<16xi32>,
      %swap3A_147 = vector.shape_cast %swap3A_146 : vector<16xi32> to vector<16xi32>
      %swap3A_148 = vector.shape_cast %select_n3A_141 : vector<16xi32> to vector<16xi32>
      tpu.vector_store %arg6[%swap3A_145], %swap3A_148 {strides = array<i32>} : memref<128xi32, #tpu.memory_space<vmem>>, vector<16xi32>,
      %swap3A_149 = arith.constant 96 : index
      %swap3A_150 = tpu.vector_load %arg6[%swap3A_149] {strides = array<i32>} : memref<128xi32, #tpu.memory_space<vmem>>, vector<16xi32>,
      %swap3A_151 = vector.shape_cast %swap3A_150 : vector<16xi32> to vector<16xi32>
      %swap3A_152 = vector.shape_cast %select_n3A_144 : vector<16xi32> to vector<16xi32>
      tpu.vector_store %arg6[%swap3A_149], %swap3A_152 {strides = array<i32>} : memref<128xi32, #tpu.memory_space<vmem>>, vector<16xi32>,
      %swap3A_153 = arith.constant 32 : index
      %swap3A_154 = tpu.vector_load %arg7[%swap3A_153] {strides = array<i32>} : memref<128xi32, #tpu.memory_space<vmem>>, vector<16xi32>,
      %swap3A_155 = vector.shape_cast %swap3A_154 : vector<16xi32> to vector<16xi32>
      %swap3A_156 = vector.shape_cast %and3A_137 : vector<16xi32> to vector<16xi32>
      tpu.vector_store %arg7[%swap3A_153], %swap3A_156 {strides = array<i32>} : memref<128xi32, #tpu.memory_space<vmem>>, vector<16xi32>,
      %swap3A_157 = arith.constant 96 : index
      %swap3A_158 = tpu.vector_load %arg7[%swap3A_157] {strides = array<i32>} : memref<128xi32, #tpu.memory_space<vmem>>, vector<16xi32>,
      %swap3A_159 = vector.shape_cast %swap3A_158 : vector<16xi32> to vector<16xi32>
      %swap3A_160 = vector.shape_cast %and3A_140 : vector<16xi32> to vector<16xi32>
      tpu.vector_store %arg7[%swap3A_157], %swap3A_160 {strides = array<i32>} : memref<128xi32, #tpu.memory_space<vmem>>, vector<16xi32>,
      %mul3A_161 = arith.constant 64 : i32
      %mul3A_162 = arith.muli %scan3A_47, %mul3A_161 : i32
      %add3A_163 = arith.constant 48 : i32
      %add3A_164 = arith.addi %mul3A_162, %add3A_163 : i32
      %get3A_165 = arith.index_cast %add3A_164 : i32 to index
      %get3A_166 = tpu.vector_load %arg5[%get3A_165] {strides = array<i32>} : memref<5056xi32, #tpu.memory_space<vmem>>, vector<16xi32>,
      %get3A_167 = vector.shape_cast %get3A_166 : vector<16xi32> to vector<16xi32>
      %and3A_168 = arith.constant 1073741824 : i32
      %and3A_169 = vector.broadcast %and3A_168 : i32 to vector<16xi32>
      %and3A_170 = arith.andi %get3A_167, %and3A_169 : vector<16xi32>
      %ne3A_171 = arith.cmpi ne, %and3A_170, %broadcast_in_dim3A_31 : vector<16xi32>
      %shift_right_logical3A_172 = arith.constant 14 : i32
      %shift_right_logical3A_173 = vector.broadcast %shift_right_logical3A_172 : i32 to vector<16xi32>
      %shift_right_logical3A_174 = arith.shrui %get3A_167, %shift_right_logical3A_173 : vector<16xi32>
      %and3A_175 = arith.constant 16383 : i32
      %and3A_176 = vector.broadcast %and3A_175 : i32 to vector<16xi32>
      %and3A_177 = arith.andi %shift_right_logical3A_174, %and3A_176 : vector<16xi32>
      %and3A_178 = arith.constant 16383 : i32
      %and3A_179 = vector.broadcast %and3A_178 : i32 to vector<16xi32>
      %and3A_180 = arith.andi %get3A_167, %and3A_179 : vector<16xi32>
      %select_n3A_181 = arith.select %ne3A_171, %broadcast_in_dim3A_29, %and3A_180 : vector<16xi1>, vector<16xi32>
      %eq3A_182 = arith.cmpi eq, %and3A_177, %and3A_180 : vector<16xi32>
      %or3A_183 = arith.ori %ne3A_171, %eq3A_182 : vector<16xi1>
      %select_n3A_184 = arith.select %or3A_183, %broadcast_in_dim3A_29, %and3A_177 : vector<16xi1>, vector<16xi32>
      %swap3A_185 = arith.constant 48 : index
      %swap3A_186 = tpu.vector_load %arg6[%swap3A_185] {strides = array<i32>} : memref<128xi32, #tpu.memory_space<vmem>>, vector<16xi32>,
      %swap3A_187 = vector.shape_cast %swap3A_186 : vector<16xi32> to vector<16xi32>
      %swap3A_188 = vector.shape_cast %select_n3A_181 : vector<16xi32> to vector<16xi32>
      tpu.vector_store %arg6[%swap3A_185], %swap3A_188 {strides = array<i32>} : memref<128xi32, #tpu.memory_space<vmem>>, vector<16xi32>,
      %swap3A_189 = arith.constant 112 : index
      %swap3A_190 = tpu.vector_load %arg6[%swap3A_189] {strides = array<i32>} : memref<128xi32, #tpu.memory_space<vmem>>, vector<16xi32>,
      %swap3A_191 = vector.shape_cast %swap3A_190 : vector<16xi32> to vector<16xi32>
      %swap3A_192 = vector.shape_cast %select_n3A_184 : vector<16xi32> to vector<16xi32>
      tpu.vector_store %arg6[%swap3A_189], %swap3A_192 {strides = array<i32>} : memref<128xi32, #tpu.memory_space<vmem>>, vector<16xi32>,
      %swap3A_193 = arith.constant 48 : index
      %swap3A_194 = tpu.vector_load %arg7[%swap3A_193] {strides = array<i32>} : memref<128xi32, #tpu.memory_space<vmem>>, vector<16xi32>,
      %swap3A_195 = vector.shape_cast %swap3A_194 : vector<16xi32> to vector<16xi32>
      %swap3A_196 = vector.shape_cast %and3A_177 : vector<16xi32> to vector<16xi32>
      tpu.vector_store %arg7[%swap3A_193], %swap3A_196 {strides = array<i32>} : memref<128xi32, #tpu.memory_space<vmem>>, vector<16xi32>,
      %swap3A_197 = arith.constant 112 : index
      %swap3A_198 = tpu.vector_load %arg7[%swap3A_197] {strides = array<i32>} : memref<128xi32, #tpu.memory_space<vmem>>, vector<16xi32>,
      %swap3A_199 = vector.shape_cast %swap3A_198 : vector<16xi32> to vector<16xi32>
      %swap3A_200 = vector.shape_cast %and3A_180 : vector<16xi32> to vector<16xi32>
      tpu.vector_store %arg7[%swap3A_197], %swap3A_200 {strides = array<i32>} : memref<128xi32, #tpu.memory_space<vmem>>, vector<16xi32>,
      %dma_start3A = arith.constant 0 : i32
      %dma_start3A_201 = arith.constant 0 : i32
      %dma_start3A_202 = tpu.memref_slice %arg2[%dma_start3A, %dma_start3A_201] : memref<10240x128xf32, #tpu.memory_space<hbm>> -> memref<10240x128xf32, #tpu.memory_space<hbm>>
      tpu.enqueue_indirect_dma source(%dma_start3A_202 : memref<10240x128xf32, #tpu.memory_space<hbm>>) target(%arg8 : memref<128x128xf32, #tpu.memory_space<vmem>>) offsets(%arg6 : memref<128xi32, #tpu.memory_space<vmem>>) semaphore(%arg10 : memref<!tpu.dma_semaphore, #tpu.memory_space<semaphore_mem>>)
      %dma_wait3A = arith.constant 0 : i32
      %dma_wait3A_203 = arith.constant 0 : i32
      %dma_wait3A_204 = tpu.memref_slice %arg2[%dma_wait3A, %dma_wait3A_203] : memref<10240x128xf32, #tpu.memory_space<hbm>> -> memref<10240x128xf32, #tpu.memory_space<hbm>>
      tpu.wait_indirect_dma semaphore(%arg10 : memref<!tpu.dma_semaphore, #tpu.memory_space<semaphore_mem>>) src(%dma_wait3A_204 : memref<10240x128xf32, #tpu.memory_space<hbm>>) dst(%arg8 : memref<128x128xf32, #tpu.memory_space<vmem>>)
      "tpu.region"() ({
        %run_scoped3A = tpu.sem_alloc : memref<!tpu.dma_semaphore, #tpu.memory_space<semaphore_mem>>
        %dma_start3A_206 = arith.constant 0 : i32
        %dma_start3A_207 = arith.constant 0 : i32
        %dma_start3A_208 = tpu.memref_slice %arg9[%dma_start3A_206, %dma_start3A_207] : memref<10240x128xf32, #tpu.memory_space<vmem_shared>> -> memref<10240x128xf32, #tpu.memory_space<vmem_shared>>
        tpu.enqueue_indirect_dma source(%arg8 : memref<128x128xf32, #tpu.memory_space<vmem>>) target(%dma_start3A_208 : memref<10240x128xf32, #tpu.memory_space<vmem_shared>>) offsets(%arg7 : memref<128xi32, #tpu.memory_space<vmem>>) semaphore(%run_scoped3A : memref<!tpu.dma_semaphore, #tpu.memory_space<semaphore_mem>>) {add = true}
        %dma_wait3A_209 = arith.constant 0 : i32
        %dma_wait3A_210 = arith.constant 0 : i32
        %dma_wait3A_211 = tpu.memref_slice %arg9[%dma_wait3A_209, %dma_wait3A_210] : memref<10240x128xf32, #tpu.memory_space<vmem_shared>> -> memref<10240x128xf32, #tpu.memory_space<vmem_shared>>
        tpu.wait_indirect_dma semaphore(%run_scoped3A : memref<!tpu.dma_semaphore, #tpu.memory_space<semaphore_mem>>) src(%arg8 : memref<128x128xf32, #tpu.memory_space<vmem>>) dst(%dma_wait3A_211 : memref<10240x128xf32, #tpu.memory_space<vmem_shared>>)
        tpu.yield
      }) : () -> ()
      %scan3A_205 = arith.constant 0 : i32
      scf.yield %scan3A_205 : i32
    }
    %scan3A_38 = arith.constant 79 : i32
    %barrier3A_39 = arith.constant 0 : index
    tpu.barrier barrier_id(%barrier3A_39)
    %mul3A_40 = arith.constant 640 : i32
    %mul3A_41 = arith.muli %arg1, %mul3A_40 : i32
    %mul3A_42 = arith.constant 10240 : i32
    %mul3A_43 = arith.muli %arg0, %mul3A_42 : i32
    %mul3A_44 = arith.constant 640 : i32
    %mul3A_45 = arith.muli %arg1, %mul3A_44 : i32
    %add3A_46 = arith.addi %mul3A_43, %mul3A_45 : i32
    "tpu.region"() ({
      %run_scoped3A = tpu.sem_alloc : memref<!tpu.dma_semaphore, #tpu.memory_space<semaphore_mem>>
      %dma_start3A = arith.constant 0 : i32
      %dma_start3A_47 = tpu.memref_slice %arg4[%add3A_46, %dma_start3A] : memref<20480x128xf32, #tpu.memory_space<hbm>> -> memref<640x128xf32, #tpu.memory_space<hbm>>
      %dma_start3A_48 = arith.constant 0 : i32
      %dma_start3A_49 = tpu.memref_slice %arg9[%mul3A_41, %dma_start3A_48] : memref<10240x128xf32, #tpu.memory_space<vmem_shared>> -> memref<640x128xf32, #tpu.memory_space<vmem_shared>>
      tpu.enqueue_dma source(%dma_start3A_49 : memref<640x128xf32, #tpu.memory_space<vmem_shared>>) target(%dma_start3A_47 : memref<640x128xf32, #tpu.memory_space<hbm>>) target_semaphore(%run_scoped3A : memref<!tpu.dma_semaphore, #tpu.memory_space<semaphore_mem>>)
      %dma_wait3A = arith.constant 0 : i32
      %dma_wait3A_50 = tpu.memref_slice %arg4[%add3A_46, %dma_wait3A] : memref<20480x128xf32, #tpu.memory_space<hbm>> -> memref<640x128xf32, #tpu.memory_space<hbm>>
      %dma_wait3A_51 = arith.constant 0 : i32
      %dma_wait3A_52 = tpu.memref_slice %arg9[%mul3A_41, %dma_wait3A_51] : memref<10240x128xf32, #tpu.memory_space<vmem_shared>> -> memref<640x128xf32, #tpu.memory_space<vmem_shared>>
      tpu.wait_dma2 semaphore(%run_scoped3A : memref<!tpu.dma_semaphore, #tpu.memory_space<semaphore_mem>>) src(%dma_wait3A_52 : memref<640x128xf32, #tpu.memory_space<vmem_shared>>) dst(%dma_wait3A_50 : memref<640x128xf32, #tpu.memory_space<hbm>>)
      tpu.yield
    }) : () -> ()
    return
  }
}

module attributes {stable_mosaic.version = 14 : i64} {
  func.func @body(%arg0: i32, %arg1: memref<256x128xf32, #tpu.memory_space<vmem>>, %arg2: memref<256x128xf32, #tpu.memory_space<vmem>>, %arg3: memref<256x128xf32, #tpu.memory_space<vmem>>, %arg4: memref<128x128xbf16, #tpu.memory_space<vmem>>, %arg5: memref<1x128xf32, #tpu.memory_space<vmem>>, %arg6: memref<128x128xbf16, #tpu.memory_space<vmem>>, %arg7: memref<1x128xf32, #tpu.memory_space<vmem>>, %arg8: memref<1x128xf32, #tpu.memory_space<vmem>>, %arg9: memref<1x128xf32, #tpu.memory_space<vmem>>, %arg10: memref<128x384xbf16, #tpu.memory_space<vmem>>, %arg11: memref<1x384xf32, #tpu.memory_space<vmem>>, %arg12: memref<1x384xf32, #tpu.memory_space<vmem>>, %arg13: memref<256x128xf32, #tpu.memory_space<vmem>>) attributes {dimension_semantics = [#tpu.dimension_semantics<arbitrary>], iteration_bounds = array<i64: 40>, scalar_prefetch = 0 : i64, scratch_operands = 0 : i64, tpu.core_type = #tpu.core_type<tc>, window_params = [{transform_indices = @transform_0, window_bounds = array<i64: 256, 128>}, {transform_indices = @transform_1, window_bounds = array<i64: 256, 128>}, {transform_indices = @transform_2, window_bounds = array<i64: 256, 128>}, {pipeline_mode = #tpu.pipeline_mode<synchronous>, transform_indices = @transform_3, window_bounds = array<i64: 128, 128>}, {pipeline_mode = #tpu.pipeline_mode<synchronous>, transform_indices = @transform_4, window_bounds = array<i64: 1, 128>}, {pipeline_mode = #tpu.pipeline_mode<synchronous>, transform_indices = @transform_5, window_bounds = array<i64: 128, 128>}, {pipeline_mode = #tpu.pipeline_mode<synchronous>, transform_indices = @transform_6, window_bounds = array<i64: 1, 128>}, {pipeline_mode = #tpu.pipeline_mode<synchronous>, transform_indices = @transform_7, window_bounds = array<i64: 1, 128>}, {pipeline_mode = #tpu.pipeline_mode<synchronous>, transform_indices = @transform_8, window_bounds = array<i64: 1, 128>}, {pipeline_mode = #tpu.pipeline_mode<synchronous>, transform_indices = @transform_9, window_bounds = array<i64: 128, 384>}, {pipeline_mode = #tpu.pipeline_mode<synchronous>, transform_indices = @transform_10, window_bounds = array<i64: 1, 384>}, {pipeline_mode = #tpu.pipeline_mode<synchronous>, transform_indices = @transform_11, window_bounds = array<i64: 1, 384>}, {transform_indices = @transform_12, window_bounds = array<i64: 256, 128>}]} {
    %get3A = arith.constant 0 : index
    %get3A_0 = arith.constant 0 : index
    %get3A_1 = vector.load %arg1[%get3A, %get3A_0] : memref<256x128xf32, #tpu.memory_space<vmem>>, vector<256x128xf32>
    %get3A_2 = arith.constant 0 : index
    %get3A_3 = arith.constant 0 : index
    %get3A_4 = vector.load %arg2[%get3A_2, %get3A_3] : memref<256x128xf32, #tpu.memory_space<vmem>>, vector<256x128xf32>
    %add3A = arith.addf %get3A_1, %get3A_4 : vector<256x128xf32>
    %get3A_5 = arith.constant 0 : index
    %get3A_6 = arith.constant 0 : index
    %get3A_7 = vector.load %arg3[%get3A_5, %get3A_6] : memref<256x128xf32, #tpu.memory_space<vmem>>, vector<256x128xf32>
    %add3A_8 = arith.addf %add3A, %get3A_7 : vector<256x128xf32>
    %convert_element_type3A = arith.truncf %add3A_8 : vector<256x128xf32> to vector<256x128xbf16>
    %get3A_9 = arith.constant 0 : index
    %get3A_10 = arith.constant 0 : index
    %get3A_11 = vector.load %arg4[%get3A_9, %get3A_10] : memref<128x128xbf16, #tpu.memory_space<vmem>>, vector<128x128xbf16>
    %dot_general3A = arith.constant dense<0.000000e+00> : vector<256x128xf32>
    %dot_general3A_12 = tpu.matmul %convert_element_type3A, %get3A_11, %dot_general3A {dimension_numbers = #tpu.dot_dimension_numbers<[1], [0], [0], [1], [0, 0, 1, 1], [], []>, transpose_lhs_hint = false} : vector<256x128xbf16>, vector<128x128xbf16>, vector<256x128xf32> -> vector<256x128xf32>
    %get3A_13 = arith.constant 0 : index
    %get3A_14 = arith.constant 0 : index
    %get3A_15 = vector.load %arg5[%get3A_13, %get3A_14] : memref<1x128xf32, #tpu.memory_space<vmem>>, vector<1x128xf32>
    %add3A_16 = vector.broadcast %get3A_15 : vector<1x128xf32> to vector<256x128xf32>
    %add3A_17 = arith.addf %dot_general3A_12, %add3A_16 : vector<256x128xf32>
    %max3A = arith.constant 0.000000e+00 : f32
    %max3A_18 = vector.broadcast %max3A : f32 to vector<256x128xf32>
    %max3A_19 = arith.maximumf %add3A_17, %max3A_18 : vector<256x128xf32>
    %convert_element_type3A_20 = arith.truncf %max3A_19 : vector<256x128xf32> to vector<256x128xbf16>
    %get3A_21 = arith.constant 0 : index
    %get3A_22 = arith.constant 0 : index
    %get3A_23 = vector.load %arg6[%get3A_21, %get3A_22] : memref<128x128xbf16, #tpu.memory_space<vmem>>, vector<128x128xbf16>
    %dot_general3A_24 = arith.constant dense<0.000000e+00> : vector<256x128xf32>
    %dot_general3A_25 = tpu.matmul %convert_element_type3A_20, %get3A_23, %dot_general3A_24 {dimension_numbers = #tpu.dot_dimension_numbers<[1], [0], [0], [1], [0, 0, 1, 1], [], []>, transpose_lhs_hint = false} : vector<256x128xbf16>, vector<128x128xbf16>, vector<256x128xf32> -> vector<256x128xf32>
    %get3A_26 = arith.constant 0 : index
    %get3A_27 = arith.constant 0 : index
    %get3A_28 = vector.load %arg7[%get3A_26, %get3A_27] : memref<1x128xf32, #tpu.memory_space<vmem>>, vector<1x128xf32>
    %add3A_29 = vector.broadcast %get3A_28 : vector<1x128xf32> to vector<256x128xf32>
    %add3A_30 = arith.addf %dot_general3A_25, %add3A_29 : vector<256x128xf32>
    %get3A_31 = arith.constant 0 : index
    %get3A_32 = arith.constant 0 : index
    %get3A_33 = vector.load %arg8[%get3A_31, %get3A_32] : memref<1x128xf32, #tpu.memory_space<vmem>>, vector<1x128xf32>
    %mul3A = vector.broadcast %get3A_33 : vector<1x128xf32> to vector<256x128xf32>
    %mul3A_34 = arith.mulf %add3A_30, %mul3A : vector<256x128xf32>
    %get3A_35 = arith.constant 0 : index
    %get3A_36 = arith.constant 0 : index
    %get3A_37 = vector.load %arg9[%get3A_35, %get3A_36] : memref<1x128xf32, #tpu.memory_space<vmem>>, vector<1x128xf32>
    %add3A_38 = vector.broadcast %get3A_37 : vector<1x128xf32> to vector<256x128xf32>
    %add3A_39 = arith.addf %mul3A_34, %add3A_38 : vector<256x128xf32>
    %convert_element_type3A_40 = arith.truncf %add3A_39 : vector<256x128xf32> to vector<256x128xbf16>
    %get3A_41 = arith.constant 0 : index
    %get3A_42 = arith.constant 0 : index
    %get3A_43 = vector.load %arg10[%get3A_41, %get3A_42] : memref<128x384xbf16, #tpu.memory_space<vmem>>, vector<128x384xbf16>
    %dot_general3A_44 = arith.constant dense<0.000000e+00> : vector<256x384xf32>
    %dot_general3A_45 = tpu.matmul %convert_element_type3A_40, %get3A_43, %dot_general3A_44 {dimension_numbers = #tpu.dot_dimension_numbers<[1], [0], [0], [1], [0, 0, 1, 1], [], []>, transpose_lhs_hint = false} : vector<256x128xbf16>, vector<128x384xbf16>, vector<256x384xf32> -> vector<256x384xf32>
    %get3A_46 = arith.constant 0 : index
    %get3A_47 = arith.constant 0 : index
    %get3A_48 = vector.load %arg11[%get3A_46, %get3A_47] : memref<1x384xf32, #tpu.memory_space<vmem>>, vector<1x384xf32>
    %add3A_49 = vector.broadcast %get3A_48 : vector<1x384xf32> to vector<256x384xf32>
    %add3A_50 = arith.addf %dot_general3A_45, %add3A_49 : vector<256x384xf32>
    %slice3A = vector.extract_strided_slice %add3A_50 {offsets = [0, 0], sizes = [256, 128], strides = [1, 1]} : vector<256x384xf32> to vector<256x128xf32>
    %get3A_51 = arith.constant 0 : index
    %get3A_52 = arith.constant 0 : index
    %get3A_53 = vector.load %arg12[%get3A_51, %get3A_52] : memref<1x384xf32, #tpu.memory_space<vmem>>, vector<1x128xf32>
    %add3A_54 = vector.broadcast %get3A_53 : vector<1x128xf32> to vector<256x128xf32>
    %add3A_55 = arith.addf %slice3A, %add3A_54 : vector<256x128xf32>
    %logistic3A = arith.negf %add3A_55 : vector<256x128xf32>
    %logistic3A_56 = math.exp %logistic3A : vector<256x128xf32>
    %logistic3A_57 = arith.constant 1.000000e+00 : f32
    %logistic3A_58 = vector.broadcast %logistic3A_57 : f32 to vector<256x128xf32>
    %logistic3A_59 = arith.addf %logistic3A_58, %logistic3A_56 : vector<256x128xf32>
    %logistic3A_60 = arith.divf %logistic3A_58, %logistic3A_59 : vector<256x128xf32>
    %slice3A_61 = vector.extract_strided_slice %add3A_50 {offsets = [0, 128], sizes = [256, 128], strides = [1, 1]} : vector<256x384xf32> to vector<256x128xf32>
    %get3A_62 = arith.constant 0 : index
    %get3A_63 = arith.constant 128 : index
    %get3A_64 = vector.load %arg12[%get3A_62, %get3A_63] : memref<1x384xf32, #tpu.memory_space<vmem>>, vector<1x128xf32>
    %add3A_65 = vector.broadcast %get3A_64 : vector<1x128xf32> to vector<256x128xf32>
    %add3A_66 = arith.addf %slice3A_61, %add3A_65 : vector<256x128xf32>
    %logistic3A_67 = arith.negf %add3A_66 : vector<256x128xf32>
    %logistic3A_68 = math.exp %logistic3A_67 : vector<256x128xf32>
    %logistic3A_69 = arith.constant 1.000000e+00 : f32
    %logistic3A_70 = vector.broadcast %logistic3A_69 : f32 to vector<256x128xf32>
    %logistic3A_71 = arith.addf %logistic3A_70, %logistic3A_68 : vector<256x128xf32>
    %logistic3A_72 = arith.divf %logistic3A_70, %logistic3A_71 : vector<256x128xf32>
    %slice3A_73 = vector.extract_strided_slice %add3A_50 {offsets = [0, 256], sizes = [256, 128], strides = [1, 1]} : vector<256x384xf32> to vector<256x128xf32>
    %get3A_74 = arith.constant 0 : index
    %get3A_75 = arith.constant 256 : index
    %get3A_76 = vector.load %arg12[%get3A_74, %get3A_75] : memref<1x384xf32, #tpu.memory_space<vmem>>, vector<1x128xf32>
    %mul3A_77 = vector.broadcast %get3A_76 : vector<1x128xf32> to vector<256x128xf32>
    %mul3A_78 = arith.mulf %logistic3A_60, %mul3A_77 : vector<256x128xf32>
    %add3A_79 = arith.addf %slice3A_73, %mul3A_78 : vector<256x128xf32>
    %tanh3A = math.tanh %add3A_79 : vector<256x128xf32>
    %sub3A = arith.constant 1.000000e+00 : f32
    %sub3A_80 = vector.broadcast %sub3A : f32 to vector<256x128xf32>
    %sub3A_81 = arith.subf %sub3A_80, %logistic3A_72 : vector<256x128xf32>
    %mul3A_82 = arith.mulf %sub3A_81, %tanh3A : vector<256x128xf32>
    %mul3A_83 = arith.constant 256 : i32
    %mul3A_84 = arith.muli %arg0, %mul3A_83 : i32
    %iota3A = tpu.iota {dimensions = array<i32: 0>} : vector<256x128xi32>
    %add3A_85 = vector.broadcast %mul3A_84 : i32 to vector<256x128xi32>
    %add3A_86 = arith.addi %add3A_85, %iota3A : vector<256x128xi32>
    %lt3A = arith.constant 10000 : i32
    %lt3A_87 = vector.broadcast %lt3A : i32 to vector<256x128xi32>
    %lt3A_88 = arith.cmpi slt, %add3A_86, %lt3A_87 : vector<256x128xi32>
    %jit3A = arith.constant 0.000000e+00 : f32
    %broadcast_in_dim3A = vector.broadcast %jit3A : f32 to vector<256x128xf32>
    %select_n3A = arith.select %lt3A_88, %mul3A_82, %broadcast_in_dim3A : vector<256x128xi1>, vector<256x128xf32>
    %swap3A = arith.constant 0 : index
    %swap3A_89 = arith.constant 0 : index
    %swap3A_90 = vector.load %arg13[%swap3A, %swap3A_89] : memref<256x128xf32, #tpu.memory_space<vmem>>, vector<256x128xf32>
    tpu.vector_store %arg13[%swap3A, %swap3A_89], %select_n3A {strides = array<i32>} : memref<256x128xf32, #tpu.memory_space<vmem>>, vector<256x128xf32>,
    return
  }
  func.func @transform_0(%arg0: i32) -> (i32, i32) {
    %c0_i32 = arith.constant 0 : i32
    %c0_i32_0 = arith.constant 0 : i32
    return %arg0, %c0_i32 : i32, i32
  }
  func.func @transform_1(%arg0: i32) -> (i32, i32) {
    %c0_i32 = arith.constant 0 : i32
    %c0_i32_0 = arith.constant 0 : i32
    return %arg0, %c0_i32 : i32, i32
  }
  func.func @transform_2(%arg0: i32) -> (i32, i32) {
    %add3A = arith.constant 40 : i32
    %add3A_0 = arith.addi %arg0, %add3A : i32
    %c0_i32 = arith.constant 0 : i32
    %c0_i32_1 = arith.constant 0 : i32
    return %add3A_0, %c0_i32 : i32, i32
  }
  func.func @transform_3(%arg0: i32) -> (i32, i32) {
    %c0_i32 = arith.constant 0 : i32
    %c0_i32_0 = arith.constant 0 : i32
    %c0_i32_1 = arith.constant 0 : i32
    return %c0_i32, %c0_i32_0 : i32, i32
  }
  func.func @transform_4(%arg0: i32) -> (i32, i32) {
    %c0_i32 = arith.constant 0 : i32
    %c0_i32_0 = arith.constant 0 : i32
    %c0_i32_1 = arith.constant 0 : i32
    return %c0_i32, %c0_i32_0 : i32, i32
  }
  func.func @transform_5(%arg0: i32) -> (i32, i32) {
    %c0_i32 = arith.constant 0 : i32
    %c0_i32_0 = arith.constant 0 : i32
    %c0_i32_1 = arith.constant 0 : i32
    return %c0_i32, %c0_i32_0 : i32, i32
  }
  func.func @transform_6(%arg0: i32) -> (i32, i32) {
    %c0_i32 = arith.constant 0 : i32
    %c0_i32_0 = arith.constant 0 : i32
    %c0_i32_1 = arith.constant 0 : i32
    return %c0_i32, %c0_i32_0 : i32, i32
  }
  func.func @transform_7(%arg0: i32) -> (i32, i32) {
    %c0_i32 = arith.constant 0 : i32
    %c0_i32_0 = arith.constant 0 : i32
    %c0_i32_1 = arith.constant 0 : i32
    return %c0_i32, %c0_i32_0 : i32, i32
  }
  func.func @transform_8(%arg0: i32) -> (i32, i32) {
    %c0_i32 = arith.constant 0 : i32
    %c0_i32_0 = arith.constant 0 : i32
    %c0_i32_1 = arith.constant 0 : i32
    return %c0_i32, %c0_i32_0 : i32, i32
  }
  func.func @transform_9(%arg0: i32) -> (i32, i32) {
    %c0_i32 = arith.constant 0 : i32
    %c0_i32_0 = arith.constant 0 : i32
    %c0_i32_1 = arith.constant 0 : i32
    return %c0_i32, %c0_i32_0 : i32, i32
  }
  func.func @transform_10(%arg0: i32) -> (i32, i32) {
    %c0_i32 = arith.constant 0 : i32
    %c0_i32_0 = arith.constant 0 : i32
    %c0_i32_1 = arith.constant 0 : i32
    return %c0_i32, %c0_i32_0 : i32, i32
  }
  func.func @transform_11(%arg0: i32) -> (i32, i32) {
    %c0_i32 = arith.constant 0 : i32
    %c0_i32_0 = arith.constant 0 : i32
    %c0_i32_1 = arith.constant 0 : i32
    return %c0_i32, %c0_i32_0 : i32, i32
  }
  func.func @transform_12(%arg0: i32) -> (i32, i32) {
    %c0_i32 = arith.constant 0 : i32
    %c0_i32_0 = arith.constant 0 : i32
    return %arg0, %c0_i32 : i32, i32
  }
}

module attributes {stable_mosaic.version = 14 : i64} {
  func.func @body(%arg0: i32, %arg1: memref<256x128xf32, #tpu.memory_space<vmem>>, %arg2: memref<256x128xf32, #tpu.memory_space<vmem>>, %arg3: memref<256x128xf32, #tpu.memory_space<vmem>>, %arg4: memref<128x128xbf16, #tpu.memory_space<vmem>>, %arg5: memref<1x128xf32, #tpu.memory_space<vmem>>, %arg6: memref<128x128xbf16, #tpu.memory_space<vmem>>, %arg7: memref<1x128xf32, #tpu.memory_space<vmem>>, %arg8: memref<1x128xf32, #tpu.memory_space<vmem>>, %arg9: memref<1x128xf32, #tpu.memory_space<vmem>>, %arg10: memref<128x384xbf16, #tpu.memory_space<vmem>>, %arg11: memref<1x384xf32, #tpu.memory_space<vmem>>, %arg12: memref<128x384xbf16, #tpu.memory_space<vmem>>, %arg13: memref<1x384xf32, #tpu.memory_space<vmem>>, %arg14: memref<128x128xbf16, #tpu.memory_space<vmem>>, %arg15: memref<1x128xf32, #tpu.memory_space<vmem>>, %arg16: memref<128x128xbf16, #tpu.memory_space<vmem>>, %arg17: memref<1x128xf32, #tpu.memory_space<vmem>>, %arg18: memref<256x128xf32, #tpu.memory_space<vmem>>) attributes {dimension_semantics = [#tpu.dimension_semantics<arbitrary>], iteration_bounds = array<i64: 40>, scalar_prefetch = 0 : i64, scratch_operands = 0 : i64, tpu.core_type = #tpu.core_type<tc>, window_params = [{transform_indices = @transform_0, window_bounds = array<i64: 256, 128>}, {transform_indices = @transform_1, window_bounds = array<i64: 256, 128>}, {transform_indices = @transform_2, window_bounds = array<i64: 256, 128>}, {pipeline_mode = #tpu.pipeline_mode<synchronous>, transform_indices = @transform_3, window_bounds = array<i64: 128, 128>}, {pipeline_mode = #tpu.pipeline_mode<synchronous>, transform_indices = @transform_4, window_bounds = array<i64: 1, 128>}, {pipeline_mode = #tpu.pipeline_mode<synchronous>, transform_indices = @transform_5, window_bounds = array<i64: 128, 128>}, {pipeline_mode = #tpu.pipeline_mode<synchronous>, transform_indices = @transform_6, window_bounds = array<i64: 1, 128>}, {pipeline_mode = #tpu.pipeline_mode<synchronous>, transform_indices = @transform_7, window_bounds = array<i64: 1, 128>}, {pipeline_mode = #tpu.pipeline_mode<synchronous>, transform_indices = @transform_8, window_bounds = array<i64: 1, 128>}, {pipeline_mode = #tpu.pipeline_mode<synchronous>, transform_indices = @transform_9, window_bounds = array<i64: 128, 384>}, {pipeline_mode = #tpu.pipeline_mode<synchronous>, transform_indices = @transform_10, window_bounds = array<i64: 1, 384>}, {pipeline_mode = #tpu.pipeline_mode<synchronous>, transform_indices = @transform_11, window_bounds = array<i64: 128, 384>}, {pipeline_mode = #tpu.pipeline_mode<synchronous>, transform_indices = @transform_12, window_bounds = array<i64: 1, 384>}, {pipeline_mode = #tpu.pipeline_mode<synchronous>, transform_indices = @transform_13, window_bounds = array<i64: 128, 128>}, {pipeline_mode = #tpu.pipeline_mode<synchronous>, transform_indices = @transform_14, window_bounds = array<i64: 1, 128>}, {pipeline_mode = #tpu.pipeline_mode<synchronous>, transform_indices = @transform_15, window_bounds = array<i64: 128, 128>}, {pipeline_mode = #tpu.pipeline_mode<synchronous>, transform_indices = @transform_16, window_bounds = array<i64: 1, 128>}, {transform_indices = @transform_17, window_bounds = array<i64: 256, 128>}]} {
    %get3A = arith.constant 0 : index
    %get3A_0 = arith.constant 0 : index
    %get3A_1 = vector.load %arg1[%get3A, %get3A_0] : memref<256x128xf32, #tpu.memory_space<vmem>>, vector<256x128xf32>
    %get3A_2 = arith.constant 0 : index
    %get3A_3 = arith.constant 0 : index
    %get3A_4 = vector.load %arg2[%get3A_2, %get3A_3] : memref<256x128xf32, #tpu.memory_space<vmem>>, vector<256x128xf32>
    %add3A = arith.addf %get3A_1, %get3A_4 : vector<256x128xf32>
    %get3A_5 = arith.constant 0 : index
    %get3A_6 = arith.constant 0 : index
    %get3A_7 = vector.load %arg3[%get3A_5, %get3A_6] : memref<256x128xf32, #tpu.memory_space<vmem>>, vector<256x128xf32>
    %add3A_8 = arith.addf %add3A, %get3A_7 : vector<256x128xf32>
    %convert_element_type3A = arith.truncf %add3A_8 : vector<256x128xf32> to vector<256x128xbf16>
    %get3A_9 = arith.constant 0 : index
    %get3A_10 = arith.constant 0 : index
    %get3A_11 = vector.load %arg4[%get3A_9, %get3A_10] : memref<128x128xbf16, #tpu.memory_space<vmem>>, vector<128x128xbf16>
    %dot_general3A = arith.constant dense<0.000000e+00> : vector<256x128xf32>
    %dot_general3A_12 = tpu.matmul %convert_element_type3A, %get3A_11, %dot_general3A {dimension_numbers = #tpu.dot_dimension_numbers<[1], [0], [0], [1], [0, 0, 1, 1], [], []>, transpose_lhs_hint = false} : vector<256x128xbf16>, vector<128x128xbf16>, vector<256x128xf32> -> vector<256x128xf32>
    %get3A_13 = arith.constant 0 : index
    %get3A_14 = arith.constant 0 : index
    %get3A_15 = vector.load %arg5[%get3A_13, %get3A_14] : memref<1x128xf32, #tpu.memory_space<vmem>>, vector<1x128xf32>
    %add3A_16 = vector.broadcast %get3A_15 : vector<1x128xf32> to vector<256x128xf32>
    %add3A_17 = arith.addf %dot_general3A_12, %add3A_16 : vector<256x128xf32>
    %max3A = arith.constant 0.000000e+00 : f32
    %max3A_18 = vector.broadcast %max3A : f32 to vector<256x128xf32>
    %max3A_19 = arith.maximumf %add3A_17, %max3A_18 : vector<256x128xf32>
    %convert_element_type3A_20 = arith.truncf %max3A_19 : vector<256x128xf32> to vector<256x128xbf16>
    %get3A_21 = arith.constant 0 : index
    %get3A_22 = arith.constant 0 : index
    %get3A_23 = vector.load %arg6[%get3A_21, %get3A_22] : memref<128x128xbf16, #tpu.memory_space<vmem>>, vector<128x128xbf16>
    %dot_general3A_24 = arith.constant dense<0.000000e+00> : vector<256x128xf32>
    %dot_general3A_25 = tpu.matmul %convert_element_type3A_20, %get3A_23, %dot_general3A_24 {dimension_numbers = #tpu.dot_dimension_numbers<[1], [0], [0], [1], [0, 0, 1, 1], [], []>, transpose_lhs_hint = false} : vector<256x128xbf16>, vector<128x128xbf16>, vector<256x128xf32> -> vector<256x128xf32>
    %get3A_26 = arith.constant 0 : index
    %get3A_27 = arith.constant 0 : index
    %get3A_28 = vector.load %arg7[%get3A_26, %get3A_27] : memref<1x128xf32, #tpu.memory_space<vmem>>, vector<1x128xf32>
    %add3A_29 = vector.broadcast %get3A_28 : vector<1x128xf32> to vector<256x128xf32>
    %add3A_30 = arith.addf %dot_general3A_25, %add3A_29 : vector<256x128xf32>
    %get3A_31 = arith.constant 0 : index
    %get3A_32 = arith.constant 0 : index
    %get3A_33 = vector.load %arg8[%get3A_31, %get3A_32] : memref<1x128xf32, #tpu.memory_space<vmem>>, vector<1x128xf32>
    %mul3A = vector.broadcast %get3A_33 : vector<1x128xf32> to vector<256x128xf32>
    %mul3A_34 = arith.mulf %add3A_30, %mul3A : vector<256x128xf32>
    %get3A_35 = arith.constant 0 : index
    %get3A_36 = arith.constant 0 : index
    %get3A_37 = vector.load %arg9[%get3A_35, %get3A_36] : memref<1x128xf32, #tpu.memory_space<vmem>>, vector<1x128xf32>
    %add3A_38 = vector.broadcast %get3A_37 : vector<1x128xf32> to vector<256x128xf32>
    %add3A_39 = arith.addf %mul3A_34, %add3A_38 : vector<256x128xf32>
    %convert_element_type3A_40 = arith.truncf %add3A_39 : vector<256x128xf32> to vector<256x128xbf16>
    %get3A_41 = arith.constant 0 : index
    %get3A_42 = arith.constant 0 : index
    %get3A_43 = vector.load %arg10[%get3A_41, %get3A_42] : memref<128x384xbf16, #tpu.memory_space<vmem>>, vector<128x384xbf16>
    %dot_general3A_44 = arith.constant dense<0.000000e+00> : vector<256x384xf32>
    %dot_general3A_45 = tpu.matmul %convert_element_type3A_40, %get3A_43, %dot_general3A_44 {dimension_numbers = #tpu.dot_dimension_numbers<[1], [0], [0], [1], [0, 0, 1, 1], [], []>, transpose_lhs_hint = false} : vector<256x128xbf16>, vector<128x384xbf16>, vector<256x384xf32> -> vector<256x384xf32>
    %get3A_46 = arith.constant 0 : index
    %get3A_47 = arith.constant 0 : index
    %get3A_48 = vector.load %arg11[%get3A_46, %get3A_47] : memref<1x384xf32, #tpu.memory_space<vmem>>, vector<1x384xf32>
    %add3A_49 = vector.broadcast %get3A_48 : vector<1x384xf32> to vector<256x384xf32>
    %add3A_50 = arith.addf %dot_general3A_45, %add3A_49 : vector<256x384xf32>
    %convert_element_type3A_51 = arith.truncf %get3A_1 : vector<256x128xf32> to vector<256x128xbf16>
    %get3A_52 = arith.constant 0 : index
    %get3A_53 = arith.constant 0 : index
    %get3A_54 = vector.load %arg12[%get3A_52, %get3A_53] : memref<128x384xbf16, #tpu.memory_space<vmem>>, vector<128x384xbf16>
    %dot_general3A_55 = arith.constant dense<0.000000e+00> : vector<256x384xf32>
    %dot_general3A_56 = tpu.matmul %convert_element_type3A_51, %get3A_54, %dot_general3A_55 {dimension_numbers = #tpu.dot_dimension_numbers<[1], [0], [0], [1], [0, 0, 1, 1], [], []>, transpose_lhs_hint = false} : vector<256x128xbf16>, vector<128x384xbf16>, vector<256x384xf32> -> vector<256x384xf32>
    %get3A_57 = arith.constant 0 : index
    %get3A_58 = arith.constant 0 : index
    %get3A_59 = vector.load %arg13[%get3A_57, %get3A_58] : memref<1x384xf32, #tpu.memory_space<vmem>>, vector<1x384xf32>
    %add3A_60 = vector.broadcast %get3A_59 : vector<1x384xf32> to vector<256x384xf32>
    %add3A_61 = arith.addf %dot_general3A_56, %add3A_60 : vector<256x384xf32>
    %slice3A = vector.extract_strided_slice %add3A_50 {offsets = [0, 0], sizes = [256, 128], strides = [1, 1]} : vector<256x384xf32> to vector<256x128xf32>
    %slice3A_62 = vector.extract_strided_slice %add3A_61 {offsets = [0, 0], sizes = [256, 128], strides = [1, 1]} : vector<256x384xf32> to vector<256x128xf32>
    %add3A_63 = arith.addf %slice3A, %slice3A_62 : vector<256x128xf32>
    %logistic3A = arith.negf %add3A_63 : vector<256x128xf32>
    %logistic3A_64 = math.exp %logistic3A : vector<256x128xf32>
    %logistic3A_65 = arith.constant 1.000000e+00 : f32
    %logistic3A_66 = vector.broadcast %logistic3A_65 : f32 to vector<256x128xf32>
    %logistic3A_67 = arith.addf %logistic3A_66, %logistic3A_64 : vector<256x128xf32>
    %logistic3A_68 = arith.divf %logistic3A_66, %logistic3A_67 : vector<256x128xf32>
    %slice3A_69 = vector.extract_strided_slice %add3A_50 {offsets = [0, 128], sizes = [256, 128], strides = [1, 1]} : vector<256x384xf32> to vector<256x128xf32>
    %slice3A_70 = vector.extract_strided_slice %add3A_61 {offsets = [0, 128], sizes = [256, 128], strides = [1, 1]} : vector<256x384xf32> to vector<256x128xf32>
    %add3A_71 = arith.addf %slice3A_69, %slice3A_70 : vector<256x128xf32>
    %logistic3A_72 = arith.negf %add3A_71 : vector<256x128xf32>
    %logistic3A_73 = math.exp %logistic3A_72 : vector<256x128xf32>
    %logistic3A_74 = arith.constant 1.000000e+00 : f32
    %logistic3A_75 = vector.broadcast %logistic3A_74 : f32 to vector<256x128xf32>
    %logistic3A_76 = arith.addf %logistic3A_75, %logistic3A_73 : vector<256x128xf32>
    %logistic3A_77 = arith.divf %logistic3A_75, %logistic3A_76 : vector<256x128xf32>
    %slice3A_78 = vector.extract_strided_slice %add3A_50 {offsets = [0, 256], sizes = [256, 128], strides = [1, 1]} : vector<256x384xf32> to vector<256x128xf32>
    %slice3A_79 = vector.extract_strided_slice %add3A_61 {offsets = [0, 256], sizes = [256, 128], strides = [1, 1]} : vector<256x384xf32> to vector<256x128xf32>
    %mul3A_80 = arith.mulf %logistic3A_68, %slice3A_79 : vector<256x128xf32>
    %add3A_81 = arith.addf %slice3A_78, %mul3A_80 : vector<256x128xf32>
    %tanh3A = math.tanh %add3A_81 : vector<256x128xf32>
    %sub3A = arith.constant 1.000000e+00 : f32
    %sub3A_82 = vector.broadcast %sub3A : f32 to vector<256x128xf32>
    %sub3A_83 = arith.subf %sub3A_82, %logistic3A_77 : vector<256x128xf32>
    %mul3A_84 = arith.mulf %sub3A_83, %tanh3A : vector<256x128xf32>
    %mul3A_85 = arith.mulf %logistic3A_77, %get3A_1 : vector<256x128xf32>
    %add3A_86 = arith.addf %mul3A_84, %mul3A_85 : vector<256x128xf32>
    %convert_element_type3A_87 = arith.truncf %add3A_86 : vector<256x128xf32> to vector<256x128xbf16>
    %get3A_88 = arith.constant 0 : index
    %get3A_89 = arith.constant 0 : index
    %get3A_90 = vector.load %arg14[%get3A_88, %get3A_89] : memref<128x128xbf16, #tpu.memory_space<vmem>>, vector<128x128xbf16>
    %dot_general3A_91 = arith.constant dense<0.000000e+00> : vector<256x128xf32>
    %dot_general3A_92 = tpu.matmul %convert_element_type3A_87, %get3A_90, %dot_general3A_91 {dimension_numbers = #tpu.dot_dimension_numbers<[1], [0], [0], [1], [0, 0, 1, 1], [], []>, transpose_lhs_hint = false} : vector<256x128xbf16>, vector<128x128xbf16>, vector<256x128xf32> -> vector<256x128xf32>
    %get3A_93 = arith.constant 0 : index
    %get3A_94 = arith.constant 0 : index
    %get3A_95 = vector.load %arg15[%get3A_93, %get3A_94] : memref<1x128xf32, #tpu.memory_space<vmem>>, vector<1x128xf32>
    %add3A_96 = vector.broadcast %get3A_95 : vector<1x128xf32> to vector<256x128xf32>
    %add3A_97 = arith.addf %dot_general3A_92, %add3A_96 : vector<256x128xf32>
    %max3A_98 = arith.constant 0.000000e+00 : f32
    %max3A_99 = vector.broadcast %max3A_98 : f32 to vector<256x128xf32>
    %max3A_100 = arith.maximumf %add3A_97, %max3A_99 : vector<256x128xf32>
    %convert_element_type3A_101 = arith.truncf %max3A_100 : vector<256x128xf32> to vector<256x128xbf16>
    %get3A_102 = arith.constant 0 : index
    %get3A_103 = arith.constant 0 : index
    %get3A_104 = vector.load %arg16[%get3A_102, %get3A_103] : memref<128x128xbf16, #tpu.memory_space<vmem>>, vector<128x128xbf16>
    %dot_general3A_105 = arith.constant dense<0.000000e+00> : vector<256x128xf32>
    %dot_general3A_106 = tpu.matmul %convert_element_type3A_101, %get3A_104, %dot_general3A_105 {dimension_numbers = #tpu.dot_dimension_numbers<[1], [0], [0], [1], [0, 0, 1, 1], [], []>, transpose_lhs_hint = false} : vector<256x128xbf16>, vector<128x128xbf16>, vector<256x128xf32> -> vector<256x128xf32>
    %get3A_107 = arith.constant 0 : index
    %get3A_108 = arith.constant 0 : index
    %get3A_109 = vector.load %arg17[%get3A_107, %get3A_108] : memref<1x128xf32, #tpu.memory_space<vmem>>, vector<1x128xf32>
    %add3A_110 = vector.broadcast %get3A_109 : vector<1x128xf32> to vector<256x128xf32>
    %add3A_111 = arith.addf %dot_general3A_106, %add3A_110 : vector<256x128xf32>
    %swap3A = arith.constant 0 : index
    %swap3A_112 = arith.constant 0 : index
    %swap3A_113 = vector.load %arg18[%swap3A, %swap3A_112] : memref<256x128xf32, #tpu.memory_space<vmem>>, vector<256x128xf32>
    tpu.vector_store %arg18[%swap3A, %swap3A_112], %add3A_111 {strides = array<i32>} : memref<256x128xf32, #tpu.memory_space<vmem>>, vector<256x128xf32>,
    return
  }
  func.func @transform_0(%arg0: i32) -> (i32, i32) {
    %c0_i32 = arith.constant 0 : i32
    %c0_i32_0 = arith.constant 0 : i32
    return %arg0, %c0_i32 : i32, i32
  }
  func.func @transform_1(%arg0: i32) -> (i32, i32) {
    %c0_i32 = arith.constant 0 : i32
    %c0_i32_0 = arith.constant 0 : i32
    return %arg0, %c0_i32 : i32, i32
  }
  func.func @transform_2(%arg0: i32) -> (i32, i32) {
    %add3A = arith.constant 40 : i32
    %add3A_0 = arith.addi %arg0, %add3A : i32
    %c0_i32 = arith.constant 0 : i32
    %c0_i32_1 = arith.constant 0 : i32
    return %add3A_0, %c0_i32 : i32, i32
  }
  func.func @transform_3(%arg0: i32) -> (i32, i32) {
    %c0_i32 = arith.constant 0 : i32
    %c0_i32_0 = arith.constant 0 : i32
    %c0_i32_1 = arith.constant 0 : i32
    return %c0_i32, %c0_i32_0 : i32, i32
  }
  func.func @transform_4(%arg0: i32) -> (i32, i32) {
    %c0_i32 = arith.constant 0 : i32
    %c0_i32_0 = arith.constant 0 : i32
    %c0_i32_1 = arith.constant 0 : i32
    return %c0_i32, %c0_i32_0 : i32, i32
  }
  func.func @transform_5(%arg0: i32) -> (i32, i32) {
    %c0_i32 = arith.constant 0 : i32
    %c0_i32_0 = arith.constant 0 : i32
    %c0_i32_1 = arith.constant 0 : i32
    return %c0_i32, %c0_i32_0 : i32, i32
  }
  func.func @transform_6(%arg0: i32) -> (i32, i32) {
    %c0_i32 = arith.constant 0 : i32
    %c0_i32_0 = arith.constant 0 : i32
    %c0_i32_1 = arith.constant 0 : i32
    return %c0_i32, %c0_i32_0 : i32, i32
  }
  func.func @transform_7(%arg0: i32) -> (i32, i32) {
    %c0_i32 = arith.constant 0 : i32
    %c0_i32_0 = arith.constant 0 : i32
    %c0_i32_1 = arith.constant 0 : i32
    return %c0_i32, %c0_i32_0 : i32, i32
  }
  func.func @transform_8(%arg0: i32) -> (i32, i32) {
    %c0_i32 = arith.constant 0 : i32
    %c0_i32_0 = arith.constant 0 : i32
    %c0_i32_1 = arith.constant 0 : i32
    return %c0_i32, %c0_i32_0 : i32, i32
  }
  func.func @transform_9(%arg0: i32) -> (i32, i32) {
    %c0_i32 = arith.constant 0 : i32
    %c0_i32_0 = arith.constant 0 : i32
    %c0_i32_1 = arith.constant 0 : i32
    return %c0_i32, %c0_i32_0 : i32, i32
  }
  func.func @transform_10(%arg0: i32) -> (i32, i32) {
    %c0_i32 = arith.constant 0 : i32
    %c0_i32_0 = arith.constant 0 : i32
    %c0_i32_1 = arith.constant 0 : i32
    return %c0_i32, %c0_i32_0 : i32, i32
  }
  func.func @transform_11(%arg0: i32) -> (i32, i32) {
    %c0_i32 = arith.constant 0 : i32
    %c0_i32_0 = arith.constant 0 : i32
    %c0_i32_1 = arith.constant 0 : i32
    return %c0_i32, %c0_i32_0 : i32, i32
  }
  func.func @transform_12(%arg0: i32) -> (i32, i32) {
    %c0_i32 = arith.constant 0 : i32
    %c0_i32_0 = arith.constant 0 : i32
    %c0_i32_1 = arith.constant 0 : i32
    return %c0_i32, %c0_i32_0 : i32, i32
  }
  func.func @transform_13(%arg0: i32) -> (i32, i32) {
    %c0_i32 = arith.constant 0 : i32
    %c0_i32_0 = arith.constant 0 : i32
    %c0_i32_1 = arith.constant 0 : i32
    return %c0_i32, %c0_i32_0 : i32, i32
  }
  func.func @transform_14(%arg0: i32) -> (i32, i32) {
    %c0_i32 = arith.constant 0 : i32
    %c0_i32_0 = arith.constant 0 : i32
    %c0_i32_1 = arith.constant 0 : i32
    return %c0_i32, %c0_i32_0 : i32, i32
  }
  func.func @transform_15(%arg0: i32) -> (i32, i32) {
    %c0_i32 = arith.constant 0 : i32
    %c0_i32_0 = arith.constant 0 : i32
    %c0_i32_1 = arith.constant 0 : i32
    return %c0_i32, %c0_i32_0 : i32, i32
  }
  func.func @transform_16(%arg0: i32) -> (i32, i32) {
    %c0_i32 = arith.constant 0 : i32
    %c0_i32_0 = arith.constant 0 : i32
    %c0_i32_1 = arith.constant 0 : i32
    return %c0_i32, %c0_i32_0 : i32, i32
  }
  func.func @transform_17(%arg0: i32) -> (i32, i32) {
    %c0_i32 = arith.constant 0 : i32
    %c0_i32_0 = arith.constant 0 : i32
    return %arg0, %c0_i32 : i32, i32
  }
}

</mosaic_0001>

<sc_bundles>
// kernel: kernel.6.cloned.1.call-start
scs
__scs_entry_jumppad:
0x0: {  	(pc) =	sbr.rel $0x88, $3  }
0x1: {  	(tag) =	ssettag $0x0;
	lr =	simm.s32 $0x1  }
0x2: {  	[smem:$0x3F8B] =	sst lr;
	_ =	strace $0xD0000000  }
0x3: {  	_ = 	snop  }
0x4: {  	_ = 	snop  }
0x5: {  	_ = 	snop  }
0x6: {  	_ = 	snop  }
0x7: {  	_ = 	snop  }
__scs_overlays_trampoline_lowered:
0x8: {  	[smem:$0x3F9A] =	sst s0  }
0x9: {  	[smem:$0x3F9B] =	sst s1  }
0xa: {  	[smem:$0x3F9C] =	sst s2  }
0xb: {  	[smem:$0x3F9D] =	sst s3  }
0xc: {  	[smem:$0x3F9E] =	sst s4  }
0xd: {  	[smem:$0x3F9F] =	sst s5  }
0xe: {  	[smem:$0x3FA0] =	sst s6  }
0xf: {  	[smem:$0x3FA1] =	sst s7  }
0x10: {  	[smem:$0x3FA2] =	sst s8  }
0x11: {  	[smem:$0x3FA3] =	sst s9;
	s0 =	simm.s32 @!p0 $0x0  }
0x12: {  	s1 =	sld [smem:$0x3F89];
	s0 =	simm.s32 @p0 $0x1  }
0x13: {  	[smem:$0x3FA4] =	sst s0;
	s0 =	simm.s32 @!p1 $0x0  }
0x14: {  	s2 =	sld [smem:$0x3F88];
	s0 =	simm.s32 @p1 $0x1  }
0x15: {  	[smem:$0x3FA5] =	sst s0;
	s0 =	simm.s32 @!p2 $0x0  }
0x16: {  	s3 =	sld [smem:$0x3FDB];
	s0 =	simm.s32 @p2 $0x1  }
0x17: {  	s4 =	simm.s32 $0x1BF5;
	[smem:$0x3FA7] =	sst s0  }
0x18: {  	s0 =	sld [smem:$0x3F8A];
	_ =	swait.ge [sflag:s4], $0x0  }
0x19: {  	s7 =	sld [smem:$0x3F8B]  }
0x1a: {  	s8 =	sadd.s32 $0xFFFFE003, lr  }
0x1b: {  	s9 =	sadd.s32 $0xFFFFFEF7, lr;
	s5 =	simm.s32 $0xFFFFFFFF;
	p2 =	slt.u32 s8, $0xFFFFF086  }
0x1c: {  	p1 =	slt.u32 s9, $0xF7A;
	s5 =	simm.s32 @!p2 $0x0  }
0x1d: {  	s5 =	simm.s32 @p1 $0x1;
	p0 =	seq.s32 s7, s2  }
0x1e: {  	s7 =	smul.u32 @!p0 $0xF7A, s2;
	p2 =	seq.s32 @!p0 s5, $0x0  }
0x1f: {  	s9 =	smul.u32 $0xF7A, s1;
	s8 =	simm.s32 @!p0 $0x1BF5;
	p2 =	por !p2, p0  }
0x20: {  	[sflag:s8] =	ssyncset.s32 @!p0 $0xFFFFF086;
	s6 =	sadd.s32 @!p0 s3, s7;
	s7 =	simm.s32 @!p0 $0x108  }
0x21: {  	s3 =	sadd.s32 s3, s9;
	s6 =	sadd.s32 @!p0 $0x88, s6;
	s7 =	simm.s32 @p2 $0x1082  }
0x22: {  	[simem:s7], [sflag:s8] =	dma.local @!p0 [hbm:s6], $0xF7A  }
0x23: {  	s9 =	sor.u32 $0xD0000000, s2;
	s6 =	simm.s32 $0x108;
	_ =	swait.ge @!p0 [sflag:s8], $0x0  }
0x24: {  	s3 =	sadd.s32 $0x88, s3;
	s6 =	simm.s32 @!p1 $0x1082;
	[sflag:s4] =	ssyncset.s32 $0xFFFFF086  }
0x25: {  	[simem:s6], [sflag:s4] =	dma.local [hbm:s3], $0xF7A  }
0x26: {  	[smem:$0x3F8B] =	sst s1;
	(tag) =	ssettag s2;
	_ =	strace s9  }
0x27: {  	s1 =	sld [smem:$0x3F9B]  }
0x28: {  	s2 =	sld [smem:$0x3F9C]  }
0x29: {  	s4 =	sld [smem:$0x3F9E]  }
0x2a: {  	p0 =	seq.s32 s5, $0x0;
	s5 =	sld [smem:$0x3F9F]  }
0x2b: {  	s6 =	sld [smem:$0x3FA0]  }
0x2c: {  	s7 =	sld [smem:$0x3FA1]  }
0x2d: {  	s3 =	simm.s32 $0x108;
	s8 =	sld [smem:$0x3FA2]  }
0x2e: {  	s3 =	simm.s32 @!p0 $0x1082;
	s9 =	sld [smem:$0x3FA3]  }
0x2f: {  	lr =	sadd.s32 s0, s3;
	s0 =	sld [smem:$0x3F9A]  }
0x30: {  	s3 =	sld [smem:$0x3F9D]  }
0x31: {  	[smem:$0x3FA6] =	sst s10  }
0x32: {  	s10 =	sld [smem:$0x3FA4];
	_ =	sdelay $0x3  }
0x33: {  	p0 =	seq.s32 s10, $0x1;
	s10 =	sld [smem:$0x3FA6];
	_ =	sdelay $0x3  }
0x34: {  	[smem:$0x3FA6] =	sst s10  }
0x35: {  	s10 =	sld [smem:$0x3FA5];
	_ =	sdelay $0x3  }
0x36: {  	p1 =	seq.s32 s10, $0x1;
	s10 =	sld [smem:$0x3FA6];
	_ =	sdelay $0x3  }
0x37: {  	[smem:$0x3FA6] =	sst s10  }
0x38: {  	s10 =	sld [smem:$0x3FA7]  }
0x39: {  	_ = 	snop;
	(pc) =	sbr.ind lr, $3  }
0x3a: {  	_ = 	snop  }
0x3b: {  	_ = 	snop  }
0x3c: {  	p2 =	seq.s32 s10, $0x1;
	s10 =	sld [smem:$0x3FA6]  }
0x3d: {  	_ =	shalt  }
0x3e: {  	_ =	shalt  }
0x3f: {  	_ =	shalt  }
0x40: {  	_ =	shalt  }
0x41: {  	_ =	shalt  }
0x42: {  	_ =	shalt  }
0x43: {  	_ =	shalt  }
0x44: {  	_ =	shalt  }
0x45: {  	_ =	shalt  }
0x46: {  	_ =	shalt  }
0x47: {  	_ =	shalt  }
0x48: {  	_ =	shalt  }
0x49: {  	_ =	shalt  }
0x4a: {  	_ =	shalt  }
0x4b: {  	_ =	shalt  }
0x4c: {  	_ =	shalt  }
0x4d: {  	_ =	shalt  }
0x4e: {  	_ =	shalt  }
0x4f: {  	_ =	shalt  }
0x50: {  	_ =	shalt  }
0x51: {  	_ =	shalt  }
0x52: {  	_ =	shalt  }
0x53: {  	_ =	shalt  }
0x54: {  	_ =	shalt  }
0x55: {  	_ =	shalt  }
0x56: {  	_ =	shalt  }
0x57: {  	_ =	shalt  }
0x58: {  	_ =	shalt  }
0x59: {  	_ =	shalt  }
0x5a: {  	_ =	shalt  }
0x5b: {  	_ =	shalt  }
0x5c: {  	_ =	shalt  }
0x5d: {  	_ =	shalt  }
0x5e: {  	_ =	shalt  }
0x5f: {  	_ =	shalt  }
0x60: {  	_ =	shalt  }
0x61: {  	_ =	shalt  }
0x62: {  	_ =	shalt  }
0x63: {  	_ =	shalt  }
0x64: {  	_ =	shalt  }
0x65: {  	_ =	shalt  }
0x66: {  	_ =	shalt  }
0x67: {  	_ =	shalt  }
0x68: {  	_ =	shalt  }
0x69: {  	_ =	shalt  }
0x6a: {  	_ =	shalt  }
0x6b: {  	_ =	shalt  }
0x6c: {  	_ =	shalt  }
0x6d: {  	_ =	shalt  }
0x6e: {  	_ =	shalt  }
0x6f: {  	_ =	shalt  }
0x70: {  	_ =	shalt  }
0x71: {  	_ =	shalt  }
0x72: {  	_ =	shalt  }
0x73: {  	_ =	shalt  }
0x74: {  	_ =	shalt  }
0x75: {  	_ =	shalt  }
0x76: {  	_ =	shalt  }
0x77: {  	_ =	shalt  }
0x78: {  	_ =	shalt  }
0x79: {  	_ =	shalt  }
0x7a: {  	_ =	shalt  }
0x7b: {  	_ =	shalt  }
0x7c: {  	_ =	shalt  }
0x7d: {  	_ =	shalt  }
0x7e: {  	_ =	shalt  }
0x7f: {  	_ =	shalt  }
0x80: {  	_ =	shalt  }
0x81: {  	_ =	shalt  }
0x82: {  	_ =	shalt  }
0x83: {  	_ =	shalt  }
0x84: {  	_ =	shalt  }
0x85: {  	_ =	shalt  }
0x86: {  	_ =	shalt  }
0x87: {  	_ =	shalt  }
.Lfunc_end0:
.L_simem_size_0:
called_computation_lowered:
.L_overlay_start_0:
0x88: {  	s2 =	sld [smem:$0x3FD9]  }
0x89: {  	s3 =	sld [smem:$0x3FFE];
	_ =	sdelay $0x1  }
0x8a: {  	s1 =	srdreg.scid  }
0x8b: {  	s0 =	sand.u32 $0x1, s1  }
0x8c: {  	s17 =	sshll.u32 s0, $0xA;
	s2 =	sadd.s32 s3, s2  }
0x8d: {  	s2 =	sadd.s32 s2, s17  }
0x8e: {  	[smem:$0x3FB2] =	sst s2  }
0x8f: {  	_ = 	snop  }
0x90: {  	s2 =	sld [smem:$0x3FD0];
	(tm) =	ssettm $0x1  }
0x91: {  	s18 =	sld [smem:$0x3FFB];
	_ =	sdelay $0x3  }
0x92: {  	_ =	strace s18  }
0x93: {  	s3 =	sld [smem:$0x3FFC];
	_ =	sdelay $0x3  }
0x94: {  	_ =	strace s3  }
0x95: {  	s3 =	sld [smem:$0x3FFD];
	_ =	sdelay $0x3  }
0x96: {  	_ =	strace s3  }
0x97: {  	_ =	strace $0x8FFFFFFF  }
0x98: {  	s19 =	sld [smem:$0x3FDB];
	_ =	sdelay $0x1  }
0x99: {  	s4 =	simm.s32 $_scs_section_size  }
0x9a: {  	s5 =	simm.s32 $_size__tile_overlayer_lowered;
	s6 =	simm.s32 $_tile_overlayer_lowered  }
0x9b: {  	s22 =	simm.s32 $0x1BFF;
	s21 =	sshll.u32 s6, $0x1;
	s3 =	sadd.s32 s4, s19  }
0x9c: {  	s7 =	simm.s32 $0x0;
	s20 =	sshll.u32 s5, $0x1;
	s5 =	sadd.s32 s21, s3  }
0x9d: {  	[timem:s7], [sflag:s22] =	dma.local [hbm:s5], s20  }
0x9e: {  	_ =	swait.ge [sflag:s22], s20  }
0x9f: {  	s4 =	ssub.s32 $0x0, s20;
	[sflag:s22] =	ssyncset.done $0x0  }
0xa0: {  	[sflag:s22] =	ssyncadd.s32 s4;
	_ =	sdelay $0x1  }
0xa1: {  	s23 =	simm.s32 $0x1B8B  }
0xa2: {  	_ =	swait.ge [sflag:s23], $0x1  }
0xa3: {  	[sflag:s23] =	ssyncset.done $0x0  }
0xa4: {  	s25 =	simm.s32 $0x1B8E;
	s24 =	sld [smem:$0x3FFE];
	[sflag:s23] =	ssyncadd.s32 $0xFFFFFFFF  }
0xa5: {  	s26 =	simm.s32 $execute0_lowered;
	[smem:$0x3FD2] =	sst s25  }
0xa6: {  	s5 =	sshll.u32 s26, $0x1;
	_ =	strace $0x80000046;
	[dreg:$0x1] =	wrdreg $0xFFFFFFFF  }
0xa7: {  	s28 =	simm.s32 $_size_execute0_lowered;
	s3 =	sadd.s32 s3, s5;
	[dreg:$0x0] =	wrdreg $0x0  }
0xa8: {  	s5 =	sshll.u32 s28, $0x1;
	[dreg:$0x2] =	wrdreg s3  }
0xa9: {  	[dreg:$0x3] =	wrdreg s5  }
0xaa: {  	[dreg:$0x4] =	wrdreg $0xC0  }
0xab: {  	_ =	task [dreg:s7], $0x5FFFF  }
0xac: {  	[dreg:$0x1] =	wrdreg $0xFFFFFFFF  }
0xad: {  	[dreg:$0x0] =	wrdreg $0x60  }
0xae: {  	[dreg:$0x2] =	wrdreg s24  }
0xaf: {  	[dreg:$0x3] =	wrdreg s2  }
0xb0: {  	[dreg:$0x4] =	wrdreg $0x55000  }
0xb1: {  	[dreg:$0x5] =	wrdreg $0x9  }
0xb2: {  	_ =	task.clear_ibuf [dreg:s7], $0x6FFFF;
	_ =	strace $0x90000046  }
0xb3: {  	s29 =	simm.s32 $0x9;
	_ =	strace $0x80000048  }
0xb4: {  	_ =	swait.ge [sflag:s29], $0x1  }
0xb5: {  	[sflag:s29] =	ssyncadd.s32 $0xFFFFFFFF  }
0xb6: {  	_ =	strace $0x90000048  }
0xb7: {  	_ =	sfence  }
0xb8: {  	s30 =	sld [smem:$0x0];
	_ =	sdelay $0x2  }
0xb9: {  	s31 =	sshll.u32 s1, $0xD;
	s1 =	sshrl.u32 s1, $0x2  }
0xba: {  	s3 =	sand.u32 $0x4000, s31;
	s1 =	sadd.s32 s1, s30  }
0xbb: {  	s0 =	sor.u32 s3, s0;
	s1 =	sshll.u32 s1, $0x11  }
0xbc: {  	s0 =	sor.u32 s1, s0  }
0xbd: {  	s0 =	sadd.s32 $0x8F2B, s0  }
0xbe: {  	[sflag:s0] =	ssyncadd.remote.s32 $0x1  }
0xbf: {  	_ =	sfence.sel $0xFFFF  }
0xc0: {  	[dreg:$0x0] =	wrdreg $0xFFFFFFFF;
	(pc) =	sbr.abs _section_cstart, $3  }
0xc1: {  	[dreg:$0x1] =	wrdreg $0xFFFFFFFF  }
0xc2: {  	_ =	task.clear_ibuf [dreg:s7], $0x2FFFF;
	_ =	strace $0x9FFFFFFF  }
0xc3: {  	(tm) =	ssettm $0x7FFFFFFF  }
tec
execute0_lowered:
.L_overlay_start_1:
0x0: {  	(tag) =	ssettag $0x1  }
0x1: {  	s5 =	rddreg [dreg:$0x0]  }
0x2: {  	s6 =	rddreg [dreg:$0x1]  }
0x3: {  	s2 =	rddreg [dreg:$0x2]  }
0x4: {  	s0 =	rddreg [dreg:$0x3];
	s4 =	srdreg.scid  }
0x5: {  	s1 =	stileid.u32;
	s3 =	simm.s32 $0x0;
	s13 =	simm.s32 $0x2  }
0x6: {  	s14 =	simm.s32 $0x1500;
	s15 =	simm.s32 $0x80;
	s16 =	simm.s32 $0x1400  }
0x7: {  	s17 =	simm.s32 $0x1;
	s18 =	simm.s32 $0x1480;
	s21 =	simm.s32 $0x0  }
0x8: {  	s7 =	sand.u32 $0x1, s4;
	s8 =	smul.u32 $0x2800, s1;
	[smem:$0x7FF] =	sst s3  }
0x9: {  	s11 =	smul.u32 $0x50000, s1;
	s4 =	sadd.s32 $0x2200, s5;
	s19 =	sshll.u32 s1, $0x6  }
0xa: {  	s9 =	smul.u32 $0x28000, s7;
	_ =	strace $0x80000047;
	s10 =	sshll.u32 s7, $0x4  }
0xb: {  	s7 =	ssub.s32 $0x2, s7;
	s19 =	sor.u32 $0x1C02, s19;
	s28 =	sor.u32 s1, s10  }
0xc: {  	s31 =	sshrl.u32 s7, $0x1;
	s8 =	sadd.s32 s8, s9;
	s9 =	smul.u32 $0x278, s28  }
0xd: {  	s29 =	sshrl.u32 s11, $0x2;
	s12 =	ssub.s32 s7, s31;
	s30 =	sadd.s32 s8, s5  }
0xe: {  	s5 =	sadd.s32 s29, s2;
	s12 =	smax.u32 s12, $0x1;
	s6 =	sadd.s32 s6, s9  }
0xf: {  	s7 =	sadd.s32 $0x4000, s5;
	s8 =	sadd.s32 $0x8000, s5;
	s9 =	sadd.s32 $0xC000, s5  }
0x10: {  	v0 =	vimm.f32 $0.0e+00;
	s10 =	sadd.s32 $0x10000, s5;
	s11 =	sadd.s32 $0x2A200, s30;
	s20 =	sshrl.u32 s5, $0x3  }
.LBB2_1:
0x11: {  	[tilespmem:s3], [sflag:$0x2] =	stream.linear.gather [hbm4b:s6+s3], $0x13C0, $0x38;
	[tilespmem:$0x19500] =	vst v63  }
0x12: {  	s22 =	simm.s32 $0x0  }
0x13: {  	s23 =	sand.u32 $0xFFFFFF80, s22  }
0x14: {  	_ =	swait.ge [sflag:s13], $0x13C0;
	s23 =	ssub.s32 $0x0, s23  }
0x15: {  	s22 =	sand.u32 $0x3FFFFF80, s22;
	[sflag:s13] =	ssyncset.done $0x0;
	s23 =	sand.u32 $0xFFFFFF80, s23  }
0x16: {  	s24 =	sand.u32 $0x70, s3;
	[sflag:s13] =	ssyncadd.s32 $0xFFFFEC40;
	s23 =	sadd.s32 s23, s22  }
0x17: {  	s22 =	simm.s32 $0x1;
	s24 =	sor.u32 s24, s23;
	s23 =	simm.s32 $0x0  }
.LBB2_2:
0x18: {  	s25 =	sshll.u32 s22, $0x4;
	p0 =	sne.s32 s22, $0x3FF;
	s22 =	sadd.s32 $0x1, s22;
	[tilespmem:s24+$0x1500] =	vst v0  }
.Ltmp0:
0x19: {  	s23 =	sadd.s32 $0x10, s23;
	s24 =	sand.u32 $0xFFFFFF80, s25;
	(pc) =	sbr.rel @p0 .LBB2_2-.Ltmp0, $4  }
0x1a: {  	s24 =	ssub.s32 s23, s24  }
0x1b: {  	s25 =	sand.u32 $0x3FFFFF80, s25;
	s24 =	sand.u32 $0xFFFFFF80, s24  }
0x1c: {  	s26 =	sand.u32 $0x70, s23;
	s24 =	sadd.s32 s24, s25  }
0x1d: {  	s24 =	sor.u32 s26, s24  }
0x1e: {  	[tilespmem:s24+$0x1500] =	vst v0  }
0x1f: {  	[spmem:s5] =	stream.linear.scatter [tilespmem:s14], [sflag:$0x2], $0x4000, $0x38;
	[tilespmem:$0x19500] =	vst v63  }
0x20: {  	_ =	swait.ge [sflag:s13], $0x4000  }
0x21: {  	[sflag:s13] =	ssyncset.done $0x0  }
0x22: {  	[sflag:s13] =	ssyncadd.s32 $0xFFFFC000  }
0x23: {  	[spmem:s7] =	stream.linear.scatter [tilespmem:s14], [sflag:$0x2], $0x4000, $0x38;
	[tilespmem:$0x19500] =	vst v63  }
0x24: {  	_ =	swait.ge [sflag:s13], $0x4000  }
0x25: {  	[sflag:s13] =	ssyncset.done $0x0  }
0x26: {  	[sflag:s13] =	ssyncadd.s32 $0xFFFFC000  }
0x27: {  	[spmem:s8] =	stream.linear.scatter [tilespmem:s14], [sflag:$0x2], $0x4000, $0x38;
	[tilespmem:$0x19500] =	vst v63  }
0x28: {  	_ =	swait.ge [sflag:s13], $0x4000  }
0x29: {  	[sflag:s13] =	ssyncset.done $0x0  }
0x2a: {  	[sflag:s13] =	ssyncadd.s32 $0xFFFFC000  }
0x2b: {  	[spmem:s9] =	stream.linear.scatter [tilespmem:s14], [sflag:$0x2], $0x4000, $0x38;
	[tilespmem:$0x19500] =	vst v63  }
0x2c: {  	_ =	swait.ge [sflag:s13], $0x4000  }
0x2d: {  	[sflag:s13] =	ssyncset.done $0x0  }
0x2e: {  	[sflag:s13] =	ssyncadd.s32 $0xFFFFC000  }
0x2f: {  	[spmem:s10] =	stream.linear.scatter [tilespmem:s14], [sflag:$0x2], $0x4000, $0x38;
	[tilespmem:$0x19500] =	vst v63  }
0x30: {  	_ =	swait.ge [sflag:s13], $0x4000  }
0x31: {  	[sflag:s13] =	ssyncset.done $0x0  }
0x32: {  	[sflag:s13] =	ssyncadd.s32 $0xFFFFC000  }
0x33: {  	s22 =	simm.s32 $0x0;
	[bflag:$0x0] =	sbarrier.arrive $0xFFFF  }
0x34: {  	v1 =	vld [tilespmem:s22+$0x0];
	_ =	sdelay $0x4  }
0x35: {  	v2 =	vshrl.u32 v1, $0xE  }
0x36: {  	v3 =	vand.u32 $0x40000000, v1;
	v1 =	vand.u32 $0x3FFF, v1;
	v2 =	vand.u32 $0x3FFF, v2  }
0x37: {  	vm0 =	vne.s32 v3, $0x0;
	[tilespmem:$0x14C0] =	vst v1;
	vm1 =	veq.s32 v2, v1  }
0x38: {  	v1 =	vsel vm0, $0x2710, v1;
	[tilespmem:$0x1480] =	vst v2;
	vm0 =	vmor vm0, vm1  }
0x39: {  	[tilespmem:$0x1400] =	vst v1;
	v2 =	vsel vm0, $0x2710, v2  }
0x3a: {  	[tilespmem:$0x1440] =	vst v2  }
0x3b: {  	v1 =	vld [tilespmem:s22+$0x10];
	_ =	sdelay $0x4  }
0x3c: {  	v2 =	vshrl.u32 v1, $0xE  }
0x3d: {  	v3 =	vand.u32 $0x40000000, v1;
	v1 =	vand.u32 $0x3FFF, v1;
	v2 =	vand.u32 $0x3FFF, v2  }
0x3e: {  	vm10 =	vne.s32 v3, $0x0;
	[tilespmem:$0x14D0] =	vst v1;
	vm11 =	veq.s32 v2, v1  }
0x3f: {  	v1 =	vsel vm10, $0x2710, v1;
	[tilespmem:$0x1490] =	vst v2;
	vm0 =	vmor vm10, vm11  }
0x40: {  	[tilespmem:$0x1410] =	vst v1;
	v2 =	vsel vm0, $0x2710, v2  }
0x41: {  	[tilespmem:$0x1450] =	vst v2  }
0x42: {  	v1 =	vld [tilespmem:s22+$0x20];
	_ =	sdelay $0x4  }
0x43: {  	v2 =	vshrl.u32 v1, $0xE  }
0x44: {  	v3 =	vand.u32 $0x40000000, v1;
	v1 =	vand.u32 $0x3FFF, v1;
	v2 =	vand.u32 $0x3FFF, v2  }
0x45: {  	vm12 =	vne.s32 v3, $0x0;
	[tilespmem:$0x14E0] =	vst v1;
	vm13 =	veq.s32 v2, v1  }
0x46: {  	[tilespmem:$0x14A0] =	vst v2;
	v3 =	vsel vm12, $0x2710, v1;
	vm0 =	vmor vm12, vm13  }
0x47: {  	[tilespmem:$0x1420] =	vst v3;
	v1 =	vsel vm0, $0x2710, v2  }
0x48: {  	[tilespmem:$0x1460] =	vst v1  }
0x49: {  	v1 =	vld [tilespmem:s22+$0x30];
	_ =	sdelay $0x4  }
0x4a: {  	v2 =	vshrl.u32 v1, $0xE  }
0x4b: {  	v3 =	vand.u32 $0x40000000, v1;
	v1 =	vand.u32 $0x3FFF, v1;
	v2 =	vand.u32 $0x3FFF, v2  }
0x4c: {  	vm14 =	vne.s32 v3, $0x0;
	[tilespmem:$0x14F0] =	vst v1;
	vm15 =	veq.s32 v2, v1  }
0x4d: {  	[tilespmem:$0x14B0] =	vst v2;
	v3 =	vsel vm14, $0x2710, v1;
	vm0 =	vmor vm14, vm15  }
0x4e: {  	[tilespmem:$0x1430] =	vst v3;
	v1 =	vsel vm0, $0x2710, v2  }
0x4f: {  	[tilespmem:$0x1470] =	vst v1  }
0x50: {  	[tilespmem:s14], [sflag:$0x1] =	stream.indirect.gather [hbm4b:s4+s15], $0x80, s16, s15, $0xb8;
	[tilespmem:$0x19500] =	vst v63  }
0x51: {  	_ =	swait.ge [sflag:s17], $0x4000  }
0x52: {  	[sflag:s17] =	ssyncset.done $0x0  }
0x53: {  	[sflag:s17] =	ssyncadd.s32 $0xFFFFC000  }
0x54: {  	[spmem:s2] =	stream.indirect.scatter.add.f32 [tilespmem:s14], [sflag:$0x2], $0x80, s18, s15, $0xb8;
	[tilespmem:$0x19500] =	vst v63  }
0x55: {  	_ =	swait.ge [sflag:s13], $0x4000  }
0x56: {  	s25 =	simm.s32 $0x200;
	s22 =	simm.s32 $0x100;
	[sflag:s13] =	ssyncset.done $0x0  }
.LBB2_4:
0x57: {  	s24 =	sshra.s32 s22, $0x2  }
0x58: {  	[sflag:s13] =	ssyncadd.s32 $0xFFFFC000;
	s22 =	smov.u32 s25;
	s23 =	sadd.s32 $0x100, s25  }
0x59: {  	p0 =	sne.s32 s25, $0x4E00;
	v1 =	vld [tilespmem:s24+$0x0];
	_ =	sdelay $0x4  }
0x5a: {  	v2 =	vand.u32 $0x40000000, v1;
	v3 =	vshrl.u32 v1, $0xE  }
0x5b: {  	v1 =	vand.u32 $0x3FFF, v1;
	v3 =	vand.u32 $0x3FFF, v3  }
0x5c: {  	vm0 =	vne.s32 v2, $0x0;
	vm1 =	veq.s32 v3, v1;
	[tilespmem:$0x14C0] =	vst v1  }
0x5d: {  	v1 =	vsel vm0, $0x2710, v1;
	vm0 =	vmor vm0, vm1;
	[tilespmem:$0x1480] =	vst v3  }
0x5e: {  	v2 =	vsel vm0, $0x2710, v3;
	[tilespmem:$0x1400] =	vst v1  }
0x5f: {  	[tilespmem:$0x1440] =	vst v2  }
0x60: {  	v1 =	vld [tilespmem:s24+$0x10];
	_ =	sdelay $0x4  }
0x61: {  	v2 =	vand.u32 $0x40000000, v1;
	v3 =	vshrl.u32 v1, $0xE  }
0x62: {  	v1 =	vand.u32 $0x3FFF, v1;
	v3 =	vand.u32 $0x3FFF, v3  }
0x63: {  	vm0 =	vne.s32 v2, $0x0;
	vm1 =	veq.s32 v3, v1;
	[tilespmem:$0x14D0] =	vst v1  }
0x64: {  	v1 =	vsel vm0, $0x2710, v1;
	vm0 =	vmor vm0, vm1;
	[tilespmem:$0x1490] =	vst v3  }
0x65: {  	v2 =	vsel vm0, $0x2710, v3;
	[tilespmem:$0x1410] =	vst v1  }
0x66: {  	[tilespmem:$0x1450] =	vst v2  }
0x67: {  	v1 =	vld [tilespmem:s24+$0x20];
	_ =	sdelay $0x4  }
0x68: {  	v2 =	vand.u32 $0x40000000, v1;
	v3 =	vshrl.u32 v1, $0xE  }
0x69: {  	v1 =	vand.u32 $0x3FFF, v1;
	v3 =	vand.u32 $0x3FFF, v3  }
0x6a: {  	vm0 =	vne.s32 v2, $0x0;
	vm1 =	veq.s32 v3, v1;
	[tilespmem:$0x14A0] =	vst v3  }
0x6b: {  	v2 =	vsel vm0, $0x2710, v1;
	vm0 =	vmor vm0, vm1;
	[tilespmem:$0x14E0] =	vst v1  }
0x6c: {  	v1 =	vsel vm0, $0x2710, v3;
	[tilespmem:$0x1420] =	vst v2  }
0x6d: {  	[tilespmem:$0x1460] =	vst v1  }
0x6e: {  	v1 =	vld [tilespmem:s24+$0x30];
	_ =	sdelay $0x4  }
0x6f: {  	v2 =	vand.u32 $0x40000000, v1;
	v3 =	vshrl.u32 v1, $0xE  }
0x70: {  	v1 =	vand.u32 $0x3FFF, v1;
	v3 =	vand.u32 $0x3FFF, v3  }
0x71: {  	vm0 =	vne.s32 v2, $0x0;
	vm1 =	veq.s32 v3, v1;
	[tilespmem:$0x14B0] =	vst v3  }
0x72: {  	v2 =	vsel vm0, $0x2710, v1;
	vm0 =	vmor vm0, vm1;
	[tilespmem:$0x14F0] =	vst v1  }
0x73: {  	v1 =	vsel vm0, $0x2710, v3;
	[tilespmem:$0x1430] =	vst v2  }
0x74: {  	[tilespmem:$0x1470] =	vst v1  }
0x75: {  	[tilespmem:s14], [sflag:$0x1] =	stream.indirect.gather [hbm4b:s4+s15], $0x80, s16, s15, $0xb8;
	[tilespmem:$0x19500] =	vst v63  }
0x76: {  	_ =	swait.ge [sflag:s17], $0x4000  }
.Ltmp1:
0x77: {  	[sflag:s17] =	ssyncset.done $0x0;
	(pc) =	sbr.rel @p0 .LBB2_4-.Ltmp1, $4  }
0x78: {  	[sflag:s17] =	ssyncadd.s32 $0xFFFFC000  }
0x79: {  	[spmem:s2] =	stream.indirect.scatter.add.f32 [tilespmem:s14], [sflag:$0x2], $0x80, s18, s15, $0xb8;
	[tilespmem:$0x19500] =	vst v63  }
0x7a: {  	_ =	swait.ge [sflag:s13], $0x4000  }
0x7b: {  	s25 =	smov.u32 s23;
	[sflag:s13] =	ssyncset.done $0x0  }
0x7c: {  	s22 =	sshra.s32 s22, $0x2;
	[sflag:s13] =	ssyncadd.s32 $0xFFFFC000  }
0x7d: {  	v1 =	vld [tilespmem:s22+$0x0];
	_ =	sdelay $0x4  }
0x7e: {  	v2 =	vshrl.u32 v1, $0xE  }
0x7f: {  	v3 =	vand.u32 $0x40000000, v1;
	v1 =	vand.u32 $0x3FFF, v1;
	v2 =	vand.u32 $0x3FFF, v2  }
0x80: {  	vm0 =	vne.s32 v3, $0x0;
	[tilespmem:$0x14C0] =	vst v1;
	vm1 =	veq.s32 v2, v1  }
0x81: {  	v1 =	vsel vm0, $0x2710, v1;
	[tilespmem:$0x1480] =	vst v2;
	vm0 =	vmor vm0, vm1  }
0x82: {  	[tilespmem:$0x1400] =	vst v1;
	v2 =	vsel vm0, $0x2710, v2  }
0x83: {  	[tilespmem:$0x1440] =	vst v2  }
0x84: {  	v1 =	vld [tilespmem:s22+$0x10];
	_ =	sdelay $0x4  }
0x85: {  	v2 =	vshrl.u32 v1, $0xE  }
0x86: {  	v3 =	vand.u32 $0x40000000, v1;
	v1 =	vand.u32 $0x3FFF, v1;
	v2 =	vand.u32 $0x3FFF, v2  }
0x87: {  	vm10 =	vne.s32 v3, $0x0;
	[tilespmem:$0x14D0] =	vst v1;
	vm11 =	veq.s32 v2, v1  }
0x88: {  	v1 =	vsel vm10, $0x2710, v1;
	[tilespmem:$0x1490] =	vst v2;
	vm0 =	vmor vm10, vm11  }
0x89: {  	[tilespmem:$0x1410] =	vst v1;
	v2 =	vsel vm0, $0x2710, v2  }
0x8a: {  	[tilespmem:$0x1450] =	vst v2  }
0x8b: {  	v1 =	vld [tilespmem:s22+$0x20];
	_ =	sdelay $0x4  }
0x8c: {  	v2 =	vshrl.u32 v1, $0xE  }
0x8d: {  	v3 =	vand.u32 $0x40000000, v1;
	v1 =	vand.u32 $0x3FFF, v1;
	v2 =	vand.u32 $0x3FFF, v2  }
0x8e: {  	vm12 =	vne.s32 v3, $0x0;
	[tilespmem:$0x14E0] =	vst v1;
	vm13 =	veq.s32 v2, v1  }
0x8f: {  	[tilespmem:$0x14A0] =	vst v2;
	v3 =	vsel vm12, $0x2710, v1;
	vm0 =	vmor vm12, vm13  }
0x90: {  	[tilespmem:$0x1420] =	vst v3;
	v1 =	vsel vm0, $0x2710, v2  }
0x91: {  	[tilespmem:$0x1460] =	vst v1  }
0x92: {  	v1 =	vld [tilespmem:s22+$0x30];
	_ =	sdelay $0x4  }
0x93: {  	v2 =	vshrl.u32 v1, $0xE  }
0x94: {  	v3 =	vand.u32 $0x40000000, v1;
	v1 =	vand.u32 $0x3FFF, v1;
	v2 =	vand.u32 $0x3FFF, v2  }
0x95: {  	vm14 =	vne.s32 v3, $0x0;
	[tilespmem:$0x14F0] =	vst v1;
	vm15 =	veq.s32 v2, v1  }
0x96: {  	[tilespmem:$0x14B0] =	vst v2;
	v3 =	vsel vm14, $0x2710, v1;
	vm0 =	vmor vm14, vm15  }
0x97: {  	[tilespmem:$0x1430] =	vst v3;
	v1 =	vsel vm0, $0x2710, v2  }
0x98: {  	[tilespmem:$0x1470] =	vst v1  }
0x99: {  	[tilespmem:s14], [sflag:$0x1] =	stream.indirect.gather [hbm4b:s4+s15], $0x80, s16, s15, $0xb8;
	[tilespmem:$0x19500] =	vst v63  }
0x9a: {  	_ =	swait.ge [sflag:s17], $0x4000  }
0x9b: {  	[sflag:s17] =	ssyncset.done $0x0  }
0x9c: {  	[sflag:s17] =	ssyncadd.s32 $0xFFFFC000  }
0x9d: {  	[spmem:s2] =	stream.indirect.scatter.add.f32 [tilespmem:s14], [sflag:$0x2], $0x80, s18, s15, $0xb8;
	[tilespmem:$0x19500] =	vst v63  }
0x9e: {  	_ =	swait.ge [sflag:s13], $0x4000  }
0x9f: {  	s21 =	sadd.s32 $0x1, s21;
	[sflag:s13] =	ssyncset.done $0x0  }
0xa0: {  	p0 =	sne.s32 s21, s12;
	[sflag:s13] =	ssyncadd.s32 $0xFFFFC000  }
.Ltmp2:
0xa1: {  	[bflag:$0x0] =	sbarrier.arrive $0xFFFF;
	(pc) =	sbr.rel @p0 .LBB2_1-.Ltmp2, $4  }
0xa2: {  	[hbm:s11], [sflag:s19] =	dma.local [spmem:s20], $0x2800  }
0xa3: {  	_ =	swait.ge [sflag:s13], $0x2800  }
0xa4: {  	[sflag:s13] =	ssyncset.done $0x0  }
0xa5: {  	[sflag:s13] =	ssyncadd.s32 $0xFFFFD800  }
0xa6: {  	_ =	sfence.sel $0x180000  }
0xa7: {  	[bflag:$0x0] =	sbarrier.arrive $0xFFFF  }
0xa8: {  	p0 =	sne.s32 s1, $0x0;
	_ =	strace $0x90000047  }
0xa9: {  	s0 =	sadd.s32 @!p0 $0x100000, s0;
	[bflag:$0x2] =	sbarrier.arrive $0xFFFF  }
0xaa: {  	[sflag:s0] =	ssyncadd.tile.s32 @!p0 $0x1;
	_ =	shalt  }
.Lfunc_end2:
_tile_overlayer_lowered:
.L_overlay_start_2:
0xab: {  	(tag) =	ssettag $0x2  }
0xac: {  	s0 =	rddreg [dreg:$0x0];
	s2 =	stileid.u32  }
0xad: {  	s1 =	rddreg [dreg:$0x1];
	p0 =	sne.s32 s2, $0x0  }
0xae: {  	s3 =	rddreg [dreg:$0x2];
	[bflag:$0x3] =	sbarrier.arrive $0xFFFF;
	s2 =	simm.s32 @!p0 $0x1C02  }
0xaf: {  	[timem:s3], [sflag:s2] =	dma.local @!p0 [hbm:s0], s1  }
0xb0: {  	s0 =	simm.s32 @!p0 $0x2  }
0xb1: {  	_ =	swait.ge @!p0 [sflag:s0], s1  }
0xb2: {  	s1 =	ssub.s32 @!p0 $0x0, s1;
	[sflag:s0] =	ssyncset.done @!p0 $0x0  }
0xb3: {  	[sflag:s0] =	ssyncadd.s32 @!p0 s1  }
0xb4: {  	[bflag:$0x3] =	sbarrier.arrive $0xFFFF  }
0xb5: {  	_ =	shalt  }

// kernel: kernel.9.cloned.1.call-start
scs
__scs_entry_jumppad:
0x0: {  	(pc) =	sbr.rel $0x88, $3  }
0x1: {  	(tag) =	ssettag $0x0;
	lr =	simm.s32 $0x1  }
0x2: {  	[smem:$0x3F8B] =	sst lr;
	_ =	strace $0xD0000000  }
0x3: {  	_ = 	snop  }
0x4: {  	_ = 	snop  }
0x5: {  	_ = 	snop  }
0x6: {  	_ = 	snop  }
0x7: {  	_ = 	snop  }
__scs_overlays_trampoline_lowered:
0x8: {  	[smem:$0x3F9A] =	sst s0  }
0x9: {  	[smem:$0x3F9B] =	sst s1  }
0xa: {  	[smem:$0x3F9C] =	sst s2  }
0xb: {  	[smem:$0x3F9D] =	sst s3  }
0xc: {  	[smem:$0x3F9E] =	sst s4  }
0xd: {  	[smem:$0x3F9F] =	sst s5  }
0xe: {  	[smem:$0x3FA0] =	sst s6  }
0xf: {  	[smem:$0x3FA1] =	sst s7  }
0x10: {  	[smem:$0x3FA2] =	sst s8  }
0x11: {  	[smem:$0x3FA3] =	sst s9;
	s0 =	simm.s32 @!p0 $0x0  }
0x12: {  	s1 =	sld [smem:$0x3F89];
	s0 =	simm.s32 @p0 $0x1  }
0x13: {  	[smem:$0x3FA4] =	sst s0;
	s0 =	simm.s32 @!p1 $0x0  }
0x14: {  	s2 =	sld [smem:$0x3F88];
	s0 =	simm.s32 @p1 $0x1  }
0x15: {  	[smem:$0x3FA5] =	sst s0;
	s0 =	simm.s32 @!p2 $0x0  }
0x16: {  	s3 =	sld [smem:$0x3FDB];
	s0 =	simm.s32 @p2 $0x1  }
0x17: {  	s4 =	simm.s32 $0x1BF5;
	[smem:$0x3FA7] =	sst s0  }
0x18: {  	s0 =	sld [smem:$0x3F8A];
	_ =	swait.ge [sflag:s4], $0x0  }
0x19: {  	s7 =	sld [smem:$0x3F8B]  }
0x1a: {  	s8 =	sadd.s32 $0xFFFFE003, lr  }
0x1b: {  	s9 =	sadd.s32 $0xFFFFFEF7, lr;
	s5 =	simm.s32 $0xFFFFFFFF;
	p2 =	slt.u32 s8, $0xFFFFF086  }
0x1c: {  	p1 =	slt.u32 s9, $0xF7A;
	s5 =	simm.s32 @!p2 $0x0  }
0x1d: {  	s5 =	simm.s32 @p1 $0x1;
	p0 =	seq.s32 s7, s2  }
0x1e: {  	s7 =	smul.u32 @!p0 $0xF7A, s2;
	p2 =	seq.s32 @!p0 s5, $0x0  }
0x1f: {  	s9 =	smul.u32 $0xF7A, s1;
	s8 =	simm.s32 @!p0 $0x1BF5;
	p2 =	por !p2, p0  }
0x20: {  	[sflag:s8] =	ssyncset.s32 @!p0 $0xFFFFF086;
	s6 =	sadd.s32 @!p0 s3, s7;
	s7 =	simm.s32 @!p0 $0x108  }
0x21: {  	s3 =	sadd.s32 s3, s9;
	s6 =	sadd.s32 @!p0 $0x88, s6;
	s7 =	simm.s32 @p2 $0x1082  }
0x22: {  	[simem:s7], [sflag:s8] =	dma.local @!p0 [hbm:s6], $0xF7A  }
0x23: {  	s9 =	sor.u32 $0xD0000000, s2;
	s6 =	simm.s32 $0x108;
	_ =	swait.ge @!p0 [sflag:s8], $0x0  }
0x24: {  	s3 =	sadd.s32 $0x88, s3;
	s6 =	simm.s32 @!p1 $0x1082;
	[sflag:s4] =	ssyncset.s32 $0xFFFFF086  }
0x25: {  	[simem:s6], [sflag:s4] =	dma.local [hbm:s3], $0xF7A  }
0x26: {  	[smem:$0x3F8B] =	sst s1;
	(tag) =	ssettag s2;
	_ =	strace s9  }
0x27: {  	s1 =	sld [smem:$0x3F9B]  }
0x28: {  	s2 =	sld [smem:$0x3F9C]  }
0x29: {  	s4 =	sld [smem:$0x3F9E]  }
0x2a: {  	p0 =	seq.s32 s5, $0x0;
	s5 =	sld [smem:$0x3F9F]  }
0x2b: {  	s6 =	sld [smem:$0x3FA0]  }
0x2c: {  	s7 =	sld [smem:$0x3FA1]  }
0x2d: {  	s3 =	simm.s32 $0x108;
	s8 =	sld [smem:$0x3FA2]  }
0x2e: {  	s3 =	simm.s32 @!p0 $0x1082;
	s9 =	sld [smem:$0x3FA3]  }
0x2f: {  	lr =	sadd.s32 s0, s3;
	s0 =	sld [smem:$0x3F9A]  }
0x30: {  	s3 =	sld [smem:$0x3F9D]  }
0x31: {  	[smem:$0x3FA6] =	sst s10  }
0x32: {  	s10 =	sld [smem:$0x3FA4];
	_ =	sdelay $0x3  }
0x33: {  	p0 =	seq.s32 s10, $0x1;
	s10 =	sld [smem:$0x3FA6];
	_ =	sdelay $0x3  }
0x34: {  	[smem:$0x3FA6] =	sst s10  }
0x35: {  	s10 =	sld [smem:$0x3FA5];
	_ =	sdelay $0x3  }
0x36: {  	p1 =	seq.s32 s10, $0x1;
	s10 =	sld [smem:$0x3FA6];
	_ =	sdelay $0x3  }
0x37: {  	[smem:$0x3FA6] =	sst s10  }
0x38: {  	s10 =	sld [smem:$0x3FA7]  }
0x39: {  	_ = 	snop;
	(pc) =	sbr.ind lr, $3  }
0x3a: {  	_ = 	snop  }
0x3b: {  	_ = 	snop  }
0x3c: {  	p2 =	seq.s32 s10, $0x1;
	s10 =	sld [smem:$0x3FA6]  }
0x3d: {  	_ =	shalt  }
0x3e: {  	_ =	shalt  }
0x3f: {  	_ =	shalt  }
0x40: {  	_ =	shalt  }
0x41: {  	_ =	shalt  }
0x42: {  	_ =	shalt  }
0x43: {  	_ =	shalt  }
0x44: {  	_ =	shalt  }
0x45: {  	_ =	shalt  }
0x46: {  	_ =	shalt  }
0x47: {  	_ =	shalt  }
0x48: {  	_ =	shalt  }
0x49: {  	_ =	shalt  }
0x4a: {  	_ =	shalt  }
0x4b: {  	_ =	shalt  }
0x4c: {  	_ =	shalt  }
0x4d: {  	_ =	shalt  }
0x4e: {  	_ =	shalt  }
0x4f: {  	_ =	shalt  }
0x50: {  	_ =	shalt  }
0x51: {  	_ =	shalt  }
0x52: {  	_ =	shalt  }
0x53: {  	_ =	shalt  }
0x54: {  	_ =	shalt  }
0x55: {  	_ =	shalt  }
0x56: {  	_ =	shalt  }
0x57: {  	_ =	shalt  }
0x58: {  	_ =	shalt  }
0x59: {  	_ =	shalt  }
0x5a: {  	_ =	shalt  }
0x5b: {  	_ =	shalt  }
0x5c: {  	_ =	shalt  }
0x5d: {  	_ =	shalt  }
0x5e: {  	_ =	shalt  }
0x5f: {  	_ =	shalt  }
0x60: {  	_ =	shalt  }
0x61: {  	_ =	shalt  }
0x62: {  	_ =	shalt  }
0x63: {  	_ =	shalt  }
0x64: {  	_ =	shalt  }
0x65: {  	_ =	shalt  }
0x66: {  	_ =	shalt  }
0x67: {  	_ =	shalt  }
0x68: {  	_ =	shalt  }
0x69: {  	_ =	shalt  }
0x6a: {  	_ =	shalt  }
0x6b: {  	_ =	shalt  }
0x6c: {  	_ =	shalt  }
0x6d: {  	_ =	shalt  }
0x6e: {  	_ =	shalt  }
0x6f: {  	_ =	shalt  }
0x70: {  	_ =	shalt  }
0x71: {  	_ =	shalt  }
0x72: {  	_ =	shalt  }
0x73: {  	_ =	shalt  }
0x74: {  	_ =	shalt  }
0x75: {  	_ =	shalt  }
0x76: {  	_ =	shalt  }
0x77: {  	_ =	shalt  }
0x78: {  	_ =	shalt  }
0x79: {  	_ =	shalt  }
0x7a: {  	_ =	shalt  }
0x7b: {  	_ =	shalt  }
0x7c: {  	_ =	shalt  }
0x7d: {  	_ =	shalt  }
0x7e: {  	_ =	shalt  }
0x7f: {  	_ =	shalt  }
0x80: {  	_ =	shalt  }
0x81: {  	_ =	shalt  }
0x82: {  	_ =	shalt  }
0x83: {  	_ =	shalt  }
0x84: {  	_ =	shalt  }
0x85: {  	_ =	shalt  }
0x86: {  	_ =	shalt  }
0x87: {  	_ =	shalt  }
.Lfunc_end0:
.L_simem_size_0:
called_computation.1_lowered:
.L_overlay_start_0:
0x88: {  	s2 =	sld [smem:$0x3FD9]  }
0x89: {  	s3 =	sld [smem:$0x3FFE];
	_ =	sdelay $0x1  }
0x8a: {  	s1 =	srdreg.scid  }
0x8b: {  	s0 =	sand.u32 $0x1, s1  }
0x8c: {  	s17 =	sshll.u32 s0, $0xA;
	s2 =	sadd.s32 s3, s2  }
0x8d: {  	s2 =	sadd.s32 s2, s17  }
0x8e: {  	[smem:$0x3FB2] =	sst s2  }
0x8f: {  	_ = 	snop  }
0x90: {  	s2 =	sld [smem:$0x3FD0];
	(tm) =	ssettm $0x1  }
0x91: {  	s18 =	sld [smem:$0x3FFB];
	_ =	sdelay $0x3  }
0x92: {  	_ =	strace s18  }
0x93: {  	s3 =	sld [smem:$0x3FFC];
	_ =	sdelay $0x3  }
0x94: {  	_ =	strace s3  }
0x95: {  	s3 =	sld [smem:$0x3FFD];
	_ =	sdelay $0x3  }
0x96: {  	_ =	strace s3  }
0x97: {  	_ =	strace $0x8FFFFFFF  }
0x98: {  	s19 =	sld [smem:$0x3FDB];
	_ =	sdelay $0x1  }
0x99: {  	s4 =	simm.s32 $_scs_section_size  }
0x9a: {  	s5 =	simm.s32 $_size__tile_overlayer_lowered;
	s6 =	simm.s32 $_tile_overlayer_lowered  }
0x9b: {  	s22 =	simm.s32 $0x1BFF;
	s21 =	sshll.u32 s6, $0x1;
	s3 =	sadd.s32 s4, s19  }
0x9c: {  	s7 =	simm.s32 $0x0;
	s20 =	sshll.u32 s5, $0x1;
	s5 =	sadd.s32 s21, s3  }
0x9d: {  	[timem:s7], [sflag:s22] =	dma.local [hbm:s5], s20  }
0x9e: {  	_ =	swait.ge [sflag:s22], s20  }
0x9f: {  	s4 =	ssub.s32 $0x0, s20;
	[sflag:s22] =	ssyncset.done $0x0  }
0xa0: {  	[sflag:s22] =	ssyncadd.s32 s4;
	_ =	sdelay $0x1  }
0xa1: {  	s23 =	simm.s32 $0x1B8B  }
0xa2: {  	_ =	swait.ge [sflag:s23], $0x1  }
0xa3: {  	[sflag:s23] =	ssyncset.done $0x0  }
0xa4: {  	s25 =	simm.s32 $0x1B8E;
	s24 =	sld [smem:$0x3FFE];
	[sflag:s23] =	ssyncadd.s32 $0xFFFFFFFF  }
0xa5: {  	s26 =	simm.s32 $execute0_lowered;
	[smem:$0x3FD2] =	sst s25  }
0xa6: {  	s5 =	sshll.u32 s26, $0x1;
	_ =	strace $0x80000049;
	[dreg:$0x1] =	wrdreg $0xFFFFFFFF  }
0xa7: {  	s28 =	simm.s32 $_size_execute0_lowered;
	s3 =	sadd.s32 s3, s5;
	[dreg:$0x0] =	wrdreg $0x0  }
0xa8: {  	s5 =	sshll.u32 s28, $0x1;
	[dreg:$0x2] =	wrdreg s3  }
0xa9: {  	[dreg:$0x3] =	wrdreg s5  }
0xaa: {  	[dreg:$0x4] =	wrdreg $0xC0  }
0xab: {  	_ =	task [dreg:s7], $0x5FFFF  }
0xac: {  	[dreg:$0x1] =	wrdreg $0xFFFFFFFF  }
0xad: {  	[dreg:$0x0] =	wrdreg $0x60  }
0xae: {  	[dreg:$0x2] =	wrdreg s24  }
0xaf: {  	[dreg:$0x3] =	wrdreg s2  }
0xb0: {  	[dreg:$0x4] =	wrdreg $0x55000  }
0xb1: {  	[dreg:$0x5] =	wrdreg $0x9  }
0xb2: {  	_ =	task.clear_ibuf [dreg:s7], $0x6FFFF;
	_ =	strace $0x90000049  }
0xb3: {  	s29 =	simm.s32 $0x9;
	_ =	strace $0x8000004B  }
0xb4: {  	_ =	swait.ge [sflag:s29], $0x1  }
0xb5: {  	[sflag:s29] =	ssyncadd.s32 $0xFFFFFFFF  }
0xb6: {  	_ =	strace $0x9000004B  }
0xb7: {  	_ =	sfence  }
0xb8: {  	s30 =	sld [smem:$0x0];
	_ =	sdelay $0x2  }
0xb9: {  	s31 =	sshll.u32 s1, $0xD;
	s1 =	sshrl.u32 s1, $0x2  }
0xba: {  	s3 =	sand.u32 $0x4000, s31;
	s1 =	sadd.s32 s1, s30  }
0xbb: {  	s0 =	sor.u32 s3, s0;
	s1 =	sshll.u32 s1, $0x11  }
0xbc: {  	s0 =	sor.u32 s1, s0  }
0xbd: {  	s0 =	sadd.s32 $0x8F2B, s0  }
0xbe: {  	[sflag:s0] =	ssyncadd.remote.s32 $0x1  }
0xbf: {  	_ =	sfence.sel $0xFFFF  }
0xc0: {  	[dreg:$0x0] =	wrdreg $0xFFFFFFFF;
	(pc) =	sbr.abs _section_cstart, $3  }
0xc1: {  	[dreg:$0x1] =	wrdreg $0xFFFFFFFF  }
0xc2: {  	_ =	task.clear_ibuf [dreg:s7], $0x2FFFF;
	_ =	strace $0x9FFFFFFF  }
0xc3: {  	(tm) =	ssettm $0x7FFFFFFF  }
tec
execute0_lowered:
.L_overlay_start_1:
0x0: {  	(tag) =	ssettag $0x1  }
0x1: {  	s5 =	rddreg [dreg:$0x0]  }
0x2: {  	s6 =	rddreg [dreg:$0x1]  }
0x3: {  	s2 =	rddreg [dreg:$0x2]  }
0x4: {  	s0 =	rddreg [dreg:$0x3];
	s4 =	srdreg.scid  }
0x5: {  	s1 =	stileid.u32;
	s3 =	simm.s32 $0x0;
	s13 =	simm.s32 $0x2  }
0x6: {  	s14 =	simm.s32 $0x1500;
	s15 =	simm.s32 $0x80;
	s16 =	simm.s32 $0x1400  }
0x7: {  	s17 =	simm.s32 $0x1;
	s18 =	simm.s32 $0x1480;
	s21 =	simm.s32 $0x0  }
0x8: {  	s7 =	sand.u32 $0x1, s4;
	s8 =	smul.u32 $0x2800, s1;
	[smem:$0x7FF] =	sst s3  }
0x9: {  	s11 =	smul.u32 $0x50000, s1;
	s4 =	sadd.s32 $0x2200, s5;
	s19 =	sshll.u32 s1, $0x6  }
0xa: {  	s9 =	smul.u32 $0x28000, s7;
	_ =	strace $0x8000004A;
	s10 =	sshll.u32 s7, $0x4  }
0xb: {  	s7 =	ssub.s32 $0x2, s7;
	s19 =	sor.u32 $0x1C02, s19;
	s28 =	sor.u32 s1, s10  }
0xc: {  	s31 =	sshrl.u32 s7, $0x1;
	s8 =	sadd.s32 s8, s9;
	s9 =	smul.u32 $0x278, s28  }
0xd: {  	s29 =	sshrl.u32 s11, $0x2;
	s12 =	ssub.s32 s7, s31;
	s30 =	sadd.s32 s8, s5  }
0xe: {  	s5 =	sadd.s32 s29, s2;
	s12 =	smax.u32 s12, $0x1;
	s6 =	sadd.s32 s6, s9  }
0xf: {  	s7 =	sadd.s32 $0x4000, s5;
	s8 =	sadd.s32 $0x8000, s5;
	s9 =	sadd.s32 $0xC000, s5  }
0x10: {  	v0 =	vimm.f32 $0.0e+00;
	s10 =	sadd.s32 $0x10000, s5;
	s11 =	sadd.s32 $0x2A200, s30;
	s20 =	sshrl.u32 s5, $0x3  }
.LBB2_1:
0x11: {  	[tilespmem:s3], [sflag:$0x2] =	stream.linear.gather [hbm4b:s6+s3], $0x13C0, $0x38;
	[tilespmem:$0x19500] =	vst v63  }
0x12: {  	s22 =	simm.s32 $0x0  }
0x13: {  	s23 =	sand.u32 $0xFFFFFF80, s22  }
0x14: {  	_ =	swait.ge [sflag:s13], $0x13C0;
	s23 =	ssub.s32 $0x0, s23  }
0x15: {  	s22 =	sand.u32 $0x3FFFFF80, s22;
	[sflag:s13] =	ssyncset.done $0x0;
	s23 =	sand.u32 $0xFFFFFF80, s23  }
0x16: {  	s24 =	sand.u32 $0x70, s3;
	[sflag:s13] =	ssyncadd.s32 $0xFFFFEC40;
	s23 =	sadd.s32 s23, s22  }
0x17: {  	s22 =	simm.s32 $0x1;
	s24 =	sor.u32 s24, s23;
	s23 =	simm.s32 $0x0  }
.LBB2_2:
0x18: {  	s25 =	sshll.u32 s22, $0x4;
	p0 =	sne.s32 s22, $0x3FF;
	s22 =	sadd.s32 $0x1, s22;
	[tilespmem:s24+$0x1500] =	vst v0  }
.Ltmp0:
0x19: {  	s23 =	sadd.s32 $0x10, s23;
	s24 =	sand.u32 $0xFFFFFF80, s25;
	(pc) =	sbr.rel @p0 .LBB2_2-.Ltmp0, $4  }
0x1a: {  	s24 =	ssub.s32 s23, s24  }
0x1b: {  	s25 =	sand.u32 $0x3FFFFF80, s25;
	s24 =	sand.u32 $0xFFFFFF80, s24  }
0x1c: {  	s26 =	sand.u32 $0x70, s23;
	s24 =	sadd.s32 s24, s25  }
0x1d: {  	s24 =	sor.u32 s26, s24  }
0x1e: {  	[tilespmem:s24+$0x1500] =	vst v0  }
0x1f: {  	[spmem:s5] =	stream.linear.scatter [tilespmem:s14], [sflag:$0x2], $0x4000, $0x38;
	[tilespmem:$0x19500] =	vst v63  }
0x20: {  	_ =	swait.ge [sflag:s13], $0x4000  }
0x21: {  	[sflag:s13] =	ssyncset.done $0x0  }
0x22: {  	[sflag:s13] =	ssyncadd.s32 $0xFFFFC000  }
0x23: {  	[spmem:s7] =	stream.linear.scatter [tilespmem:s14], [sflag:$0x2], $0x4000, $0x38;
	[tilespmem:$0x19500] =	vst v63  }
0x24: {  	_ =	swait.ge [sflag:s13], $0x4000  }
0x25: {  	[sflag:s13] =	ssyncset.done $0x0  }
0x26: {  	[sflag:s13] =	ssyncadd.s32 $0xFFFFC000  }
0x27: {  	[spmem:s8] =	stream.linear.scatter [tilespmem:s14], [sflag:$0x2], $0x4000, $0x38;
	[tilespmem:$0x19500] =	vst v63  }
0x28: {  	_ =	swait.ge [sflag:s13], $0x4000  }
0x29: {  	[sflag:s13] =	ssyncset.done $0x0  }
0x2a: {  	[sflag:s13] =	ssyncadd.s32 $0xFFFFC000  }
0x2b: {  	[spmem:s9] =	stream.linear.scatter [tilespmem:s14], [sflag:$0x2], $0x4000, $0x38;
	[tilespmem:$0x19500] =	vst v63  }
0x2c: {  	_ =	swait.ge [sflag:s13], $0x4000  }
0x2d: {  	[sflag:s13] =	ssyncset.done $0x0  }
0x2e: {  	[sflag:s13] =	ssyncadd.s32 $0xFFFFC000  }
0x2f: {  	[spmem:s10] =	stream.linear.scatter [tilespmem:s14], [sflag:$0x2], $0x4000, $0x38;
	[tilespmem:$0x19500] =	vst v63  }
0x30: {  	_ =	swait.ge [sflag:s13], $0x4000  }
0x31: {  	[sflag:s13] =	ssyncset.done $0x0  }
0x32: {  	[sflag:s13] =	ssyncadd.s32 $0xFFFFC000  }
0x33: {  	s22 =	simm.s32 $0x0;
	[bflag:$0x0] =	sbarrier.arrive $0xFFFF  }
0x34: {  	v1 =	vld [tilespmem:s22+$0x0];
	_ =	sdelay $0x4  }
0x35: {  	v2 =	vshrl.u32 v1, $0xE  }
0x36: {  	v3 =	vand.u32 $0x40000000, v1;
	v1 =	vand.u32 $0x3FFF, v1;
	v2 =	vand.u32 $0x3FFF, v2  }
0x37: {  	vm0 =	vne.s32 v3, $0x0;
	[tilespmem:$0x14C0] =	vst v1;
	vm1 =	veq.s32 v2, v1  }
0x38: {  	v1 =	vsel vm0, $0x2710, v1;
	[tilespmem:$0x1480] =	vst v2;
	vm0 =	vmor vm0, vm1  }
0x39: {  	[tilespmem:$0x1400] =	vst v1;
	v2 =	vsel vm0, $0x2710, v2  }
0x3a: {  	[tilespmem:$0x1440] =	vst v2  }
0x3b: {  	v1 =	vld [tilespmem:s22+$0x10];
	_ =	sdelay $0x4  }
0x3c: {  	v2 =	vshrl.u32 v1, $0xE  }
0x3d: {  	v3 =	vand.u32 $0x40000000, v1;
	v1 =	vand.u32 $0x3FFF, v1;
	v2 =	vand.u32 $0x3FFF, v2  }
0x3e: {  	vm10 =	vne.s32 v3, $0x0;
	[tilespmem:$0x14D0] =	vst v1;
	vm11 =	veq.s32 v2, v1  }
0x3f: {  	v1 =	vsel vm10, $0x2710, v1;
	[tilespmem:$0x1490] =	vst v2;
	vm0 =	vmor vm10, vm11  }
0x40: {  	[tilespmem:$0x1410] =	vst v1;
	v2 =	vsel vm0, $0x2710, v2  }
0x41: {  	[tilespmem:$0x1450] =	vst v2  }
0x42: {  	v1 =	vld [tilespmem:s22+$0x20];
	_ =	sdelay $0x4  }
0x43: {  	v2 =	vshrl.u32 v1, $0xE  }
0x44: {  	v3 =	vand.u32 $0x40000000, v1;
	v1 =	vand.u32 $0x3FFF, v1;
	v2 =	vand.u32 $0x3FFF, v2  }
0x45: {  	vm12 =	vne.s32 v3, $0x0;
	[tilespmem:$0x14E0] =	vst v1;
	vm13 =	veq.s32 v2, v1  }
0x46: {  	[tilespmem:$0x14A0] =	vst v2;
	v3 =	vsel vm12, $0x2710, v1;
	vm0 =	vmor vm12, vm13  }
0x47: {  	[tilespmem:$0x1420] =	vst v3;
	v1 =	vsel vm0, $0x2710, v2  }
0x48: {  	[tilespmem:$0x1460] =	vst v1  }
0x49: {  	v1 =	vld [tilespmem:s22+$0x30];
	_ =	sdelay $0x4  }
0x4a: {  	v2 =	vshrl.u32 v1, $0xE  }
0x4b: {  	v3 =	vand.u32 $0x40000000, v1;
	v1 =	vand.u32 $0x3FFF, v1;
	v2 =	vand.u32 $0x3FFF, v2  }
0x4c: {  	vm14 =	vne.s32 v3, $0x0;
	[tilespmem:$0x14F0] =	vst v1;
	vm15 =	veq.s32 v2, v1  }
0x4d: {  	[tilespmem:$0x14B0] =	vst v2;
	v3 =	vsel vm14, $0x2710, v1;
	vm0 =	vmor vm14, vm15  }
0x4e: {  	[tilespmem:$0x1430] =	vst v3;
	v1 =	vsel vm0, $0x2710, v2  }
0x4f: {  	[tilespmem:$0x1470] =	vst v1  }
0x50: {  	[tilespmem:s14], [sflag:$0x1] =	stream.indirect.gather [hbm4b:s4+s15], $0x80, s16, s15, $0xb8;
	[tilespmem:$0x19500] =	vst v63  }
0x51: {  	_ =	swait.ge [sflag:s17], $0x4000  }
0x52: {  	[sflag:s17] =	ssyncset.done $0x0  }
0x53: {  	[sflag:s17] =	ssyncadd.s32 $0xFFFFC000  }
0x54: {  	[spmem:s2] =	stream.indirect.scatter.add.f32 [tilespmem:s14], [sflag:$0x2], $0x80, s18, s15, $0xb8;
	[tilespmem:$0x19500] =	vst v63  }
0x55: {  	_ =	swait.ge [sflag:s13], $0x4000  }
0x56: {  	s25 =	simm.s32 $0x200;
	s22 =	simm.s32 $0x100;
	[sflag:s13] =	ssyncset.done $0x0  }
.LBB2_4:
0x57: {  	s24 =	sshra.s32 s22, $0x2  }
0x58: {  	[sflag:s13] =	ssyncadd.s32 $0xFFFFC000;
	s22 =	smov.u32 s25;
	s23 =	sadd.s32 $0x100, s25  }
0x59: {  	p0 =	sne.s32 s25, $0x4E00;
	v1 =	vld [tilespmem:s24+$0x0];
	_ =	sdelay $0x4  }
0x5a: {  	v2 =	vand.u32 $0x40000000, v1;
	v3 =	vshrl.u32 v1, $0xE  }
0x5b: {  	v1 =	vand.u32 $0x3FFF, v1;
	v3 =	vand.u32 $0x3FFF, v3  }
0x5c: {  	vm0 =	vne.s32 v2, $0x0;
	vm1 =	veq.s32 v3, v1;
	[tilespmem:$0x14C0] =	vst v1  }
0x5d: {  	v1 =	vsel vm0, $0x2710, v1;
	vm0 =	vmor vm0, vm1;
	[tilespmem:$0x1480] =	vst v3  }
0x5e: {  	v2 =	vsel vm0, $0x2710, v3;
	[tilespmem:$0x1400] =	vst v1  }
0x5f: {  	[tilespmem:$0x1440] =	vst v2  }
0x60: {  	v1 =	vld [tilespmem:s24+$0x10];
	_ =	sdelay $0x4  }
0x61: {  	v2 =	vand.u32 $0x40000000, v1;
	v3 =	vshrl.u32 v1, $0xE  }
0x62: {  	v1 =	vand.u32 $0x3FFF, v1;
	v3 =	vand.u32 $0x3FFF, v3  }
0x63: {  	vm0 =	vne.s32 v2, $0x0;
	vm1 =	veq.s32 v3, v1;
	[tilespmem:$0x14D0] =	vst v1  }
0x64: {  	v1 =	vsel vm0, $0x2710, v1;
	vm0 =	vmor vm0, vm1;
	[tilespmem:$0x1490] =	vst v3  }
0x65: {  	v2 =	vsel vm0, $0x2710, v3;
	[tilespmem:$0x1410] =	vst v1  }
0x66: {  	[tilespmem:$0x1450] =	vst v2  }
0x67: {  	v1 =	vld [tilespmem:s24+$0x20];
	_ =	sdelay $0x4  }
0x68: {  	v2 =	vand.u32 $0x40000000, v1;
	v3 =	vshrl.u32 v1, $0xE  }
0x69: {  	v1 =	vand.u32 $0x3FFF, v1;
	v3 =	vand.u32 $0x3FFF, v3  }
0x6a: {  	vm0 =	vne.s32 v2, $0x0;
	vm1 =	veq.s32 v3, v1;
	[tilespmem:$0x14A0] =	vst v3  }
0x6b: {  	v2 =	vsel vm0, $0x2710, v1;
	vm0 =	vmor vm0, vm1;
	[tilespmem:$0x14E0] =	vst v1  }
0x6c: {  	v1 =	vsel vm0, $0x2710, v3;
	[tilespmem:$0x1420] =	vst v2  }
0x6d: {  	[tilespmem:$0x1460] =	vst v1  }
0x6e: {  	v1 =	vld [tilespmem:s24+$0x30];
	_ =	sdelay $0x4  }
0x6f: {  	v2 =	vand.u32 $0x40000000, v1;
	v3 =	vshrl.u32 v1, $0xE  }
0x70: {  	v1 =	vand.u32 $0x3FFF, v1;
	v3 =	vand.u32 $0x3FFF, v3  }
0x71: {  	vm0 =	vne.s32 v2, $0x0;
	vm1 =	veq.s32 v3, v1;
	[tilespmem:$0x14B0] =	vst v3  }
0x72: {  	v2 =	vsel vm0, $0x2710, v1;
	vm0 =	vmor vm0, vm1;
	[tilespmem:$0x14F0] =	vst v1  }
0x73: {  	v1 =	vsel vm0, $0x2710, v3;
	[tilespmem:$0x1430] =	vst v2  }
0x74: {  	[tilespmem:$0x1470] =	vst v1  }
0x75: {  	[tilespmem:s14], [sflag:$0x1] =	stream.indirect.gather [hbm4b:s4+s15], $0x80, s16, s15, $0xb8;
	[tilespmem:$0x19500] =	vst v63  }
0x76: {  	_ =	swait.ge [sflag:s17], $0x4000  }
.Ltmp1:
0x77: {  	[sflag:s17] =	ssyncset.done $0x0;
	(pc) =	sbr.rel @p0 .LBB2_4-.Ltmp1, $4  }
0x78: {  	[sflag:s17] =	ssyncadd.s32 $0xFFFFC000  }
0x79: {  	[spmem:s2] =	stream.indirect.scatter.add.f32 [tilespmem:s14], [sflag:$0x2], $0x80, s18, s15, $0xb8;
	[tilespmem:$0x19500] =	vst v63  }
0x7a: {  	_ =	swait.ge [sflag:s13], $0x4000  }
0x7b: {  	s25 =	smov.u32 s23;
	[sflag:s13] =	ssyncset.done $0x0  }
0x7c: {  	s22 =	sshra.s32 s22, $0x2;
	[sflag:s13] =	ssyncadd.s32 $0xFFFFC000  }
0x7d: {  	v1 =	vld [tilespmem:s22+$0x0];
	_ =	sdelay $0x4  }
0x7e: {  	v2 =	vshrl.u32 v1, $0xE  }
0x7f: {  	v3 =	vand.u32 $0x40000000, v1;
	v1 =	vand.u32 $0x3FFF, v1;
	v2 =	vand.u32 $0x3FFF, v2  }
0x80: {  	vm0 =	vne.s32 v3, $0x0;
	[tilespmem:$0x14C0] =	vst v1;
	vm1 =	veq.s32 v2, v1  }
0x81: {  	v1 =	vsel vm0, $0x2710, v1;
	[tilespmem:$0x1480] =	vst v2;
	vm0 =	vmor vm0, vm1  }
0x82: {  	[tilespmem:$0x1400] =	vst v1;
	v2 =	vsel vm0, $0x2710, v2  }
0x83: {  	[tilespmem:$0x1440] =	vst v2  }
0x84: {  	v1 =	vld [tilespmem:s22+$0x10];
	_ =	sdelay $0x4  }
0x85: {  	v2 =	vshrl.u32 v1, $0xE  }
0x86: {  	v3 =	vand.u32 $0x40000000, v1;
	v1 =	vand.u32 $0x3FFF, v1;
	v2 =	vand.u32 $0x3FFF, v2  }
0x87: {  	vm10 =	vne.s32 v3, $0x0;
	[tilespmem:$0x14D0] =	vst v1;
	vm11 =	veq.s32 v2, v1  }
0x88: {  	v1 =	vsel vm10, $0x2710, v1;
	[tilespmem:$0x1490] =	vst v2;
	vm0 =	vmor vm10, vm11  }
0x89: {  	[tilespmem:$0x1410] =	vst v1;
	v2 =	vsel vm0, $0x2710, v2  }
0x8a: {  	[tilespmem:$0x1450] =	vst v2  }
0x8b: {  	v1 =	vld [tilespmem:s22+$0x20];
	_ =	sdelay $0x4  }
0x8c: {  	v2 =	vshrl.u32 v1, $0xE  }
0x8d: {  	v3 =	vand.u32 $0x40000000, v1;
	v1 =	vand.u32 $0x3FFF, v1;
	v2 =	vand.u32 $0x3FFF, v2  }
0x8e: {  	vm12 =	vne.s32 v3, $0x0;
	[tilespmem:$0x14E0] =	vst v1;
	vm13 =	veq.s32 v2, v1  }
0x8f: {  	[tilespmem:$0x14A0] =	vst v2;
	v3 =	vsel vm12, $0x2710, v1;
	vm0 =	vmor vm12, vm13  }
0x90: {  	[tilespmem:$0x1420] =	vst v3;
	v1 =	vsel vm0, $0x2710, v2  }
0x91: {  	[tilespmem:$0x1460] =	vst v1  }
0x92: {  	v1 =	vld [tilespmem:s22+$0x30];
	_ =	sdelay $0x4  }
0x93: {  	v2 =	vshrl.u32 v1, $0xE  }
0x94: {  	v3 =	vand.u32 $0x40000000, v1;
	v1 =	vand.u32 $0x3FFF, v1;
	v2 =	vand.u32 $0x3FFF, v2  }
0x95: {  	vm14 =	vne.s32 v3, $0x0;
	[tilespmem:$0x14F0] =	vst v1;
	vm15 =	veq.s32 v2, v1  }
0x96: {  	[tilespmem:$0x14B0] =	vst v2;
	v3 =	vsel vm14, $0x2710, v1;
	vm0 =	vmor vm14, vm15  }
0x97: {  	[tilespmem:$0x1430] =	vst v3;
	v1 =	vsel vm0, $0x2710, v2  }
0x98: {  	[tilespmem:$0x1470] =	vst v1  }
0x99: {  	[tilespmem:s14], [sflag:$0x1] =	stream.indirect.gather [hbm4b:s4+s15], $0x80, s16, s15, $0xb8;
	[tilespmem:$0x19500] =	vst v63  }
0x9a: {  	_ =	swait.ge [sflag:s17], $0x4000  }
0x9b: {  	[sflag:s17] =	ssyncset.done $0x0  }
0x9c: {  	[sflag:s17] =	ssyncadd.s32 $0xFFFFC000  }
0x9d: {  	[spmem:s2] =	stream.indirect.scatter.add.f32 [tilespmem:s14], [sflag:$0x2], $0x80, s18, s15, $0xb8;
	[tilespmem:$0x19500] =	vst v63  }
0x9e: {  	_ =	swait.ge [sflag:s13], $0x4000  }
0x9f: {  	s21 =	sadd.s32 $0x1, s21;
	[sflag:s13] =	ssyncset.done $0x0  }
0xa0: {  	p0 =	sne.s32 s21, s12;
	[sflag:s13] =	ssyncadd.s32 $0xFFFFC000  }
.Ltmp2:
0xa1: {  	[bflag:$0x0] =	sbarrier.arrive $0xFFFF;
	(pc) =	sbr.rel @p0 .LBB2_1-.Ltmp2, $4  }
0xa2: {  	[hbm:s11], [sflag:s19] =	dma.local [spmem:s20], $0x2800  }
0xa3: {  	_ =	swait.ge [sflag:s13], $0x2800  }
0xa4: {  	[sflag:s13] =	ssyncset.done $0x0  }
0xa5: {  	[sflag:s13] =	ssyncadd.s32 $0xFFFFD800  }
0xa6: {  	_ =	sfence.sel $0x180000  }
0xa7: {  	[bflag:$0x0] =	sbarrier.arrive $0xFFFF  }
0xa8: {  	p0 =	sne.s32 s1, $0x0;
	_ =	strace $0x9000004A  }
0xa9: {  	s0 =	sadd.s32 @!p0 $0x100000, s0;
	[bflag:$0x2] =	sbarrier.arrive $0xFFFF  }
0xaa: {  	[sflag:s0] =	ssyncadd.tile.s32 @!p0 $0x1;
	_ =	shalt  }
.Lfunc_end2:
_tile_overlayer_lowered:
.L_overlay_start_2:
0xab: {  	(tag) =	ssettag $0x2  }
0xac: {  	s0 =	rddreg [dreg:$0x0];
	s2 =	stileid.u32  }
0xad: {  	s1 =	rddreg [dreg:$0x1];
	p0 =	sne.s32 s2, $0x0  }
0xae: {  	s3 =	rddreg [dreg:$0x2];
	[bflag:$0x3] =	sbarrier.arrive $0xFFFF;
	s2 =	simm.s32 @!p0 $0x1C02  }
0xaf: {  	[timem:s3], [sflag:s2] =	dma.local @!p0 [hbm:s0], s1  }
0xb0: {  	s0 =	simm.s32 @!p0 $0x2  }
0xb1: {  	_ =	swait.ge @!p0 [sflag:s0], s1  }
0xb2: {  	s1 =	ssub.s32 @!p0 $0x0, s1;
	[sflag:s0] =	ssyncset.done @!p0 $0x0  }
0xb3: {  	[sflag:s0] =	ssyncadd.s32 @!p0 s1  }
0xb4: {  	[bflag:$0x3] =	sbarrier.arrive $0xFFFF  }
0xb5: {  	_ =	shalt  }

</sc_bundles>
